<compile_context>
chip_gen: v7x
topology: tpu7x:2x2x1
jax: 0.10.2.dev20260603
libtpu: 0.0.44.dev20260713+nightly
codegen_flags: <defaults>
</compile_context>

<pallas_src>
import functools

import jax
import jax.numpy as jnp
from jax import lax
from jax.experimental import pallas as pl
from jax.experimental.pallas import tpu as pltpu
from jax.experimental.pallas import tpu_sc as plsc

HIDDEN = 128
NUM_SCALES = 100000
BATCH = 16384

NC = 2
NS = 16
LANES = 16
NW = NC * NS
BPW = BATCH // NW
CHUNK = 128
NCHUNK = BPW // CHUNK
REGS_PER_CHUNK = CHUNK // LANES


def _body(scale_hbm, table_hbm, out_hbm, idx_v, rows_v, osem, *gsems):
    wid = lax.axis_index("s") * NC + lax.axis_index("c")
    base = wid * BPW

    pltpu.sync_copy(scale_hbm.at[pl.ds(base, BPW)], idx_v)

    table2d = table_hbm.at[:, 0]
    out2d = out_hbm.at[0]

    gathers = []
    for c in range(NCHUNK):
        for i in range(c * REGS_PER_CHUNK, (c + 1) * REGS_PER_CHUNK):
            v = idx_v[pl.ds(i * LANES, LANES)]
            idx_v[pl.ds(i * LANES, LANES)] = (
                jnp.minimum(jnp.maximum(v, 0), NUM_SCALES - 1) + 1
            )
        gathers.append(
            pltpu.async_copy(
                table2d.at[idx_v.at[pl.ds(c * CHUNK, CHUNK)]],
                rows_v.at[pl.ds(c * CHUNK, CHUNK)],
                gsems[c],
            )
        )

    outs = []
    for c in range(NCHUNK):
        gathers[c].wait()
        outs.append(
            pltpu.async_copy(
                rows_v.at[pl.ds(c * CHUNK, CHUNK)],
                out2d.at[pl.ds(base + c * CHUNK, CHUNK)],
                osem,
            )
        )
    for o in outs:
        o.wait()


@functools.cache
def _build():
    mesh = plsc.VectorSubcoreMesh(
        core_axis_name="c", subcore_axis_name="s", num_cores=NC, num_subcores=NS
    )
    return pl.kernel(
        _body,
        out_type=jax.ShapeDtypeStruct((1, BATCH, HIDDEN), jnp.float32),
        mesh=mesh,
        scratch_types=[
            pltpu.VMEM((BPW,), jnp.int32),
            pltpu.VMEM((BPW, HIDDEN), jnp.float32),
            pltpu.SemaphoreType.DMA,
        ]
        + [pltpu.SemaphoreType.DMA] * NCHUNK,
    )


def kernel(scale, scale_embeddings):
    idx = scale.reshape(BATCH).astype(jnp.int32)
    table3d = scale_embeddings.transpose(1, 0, 2)
    return _build()(idx, table3d)

# --- scband reference (transcript-rebuilt; emitter-appended) ---
"""Pipeline reference for scband-scale-embedding-19877108646177 (READ-ONLY COPY).

The authoritative reference and input builder live on the scoring server;
editing this copy changes nothing except your own understanding.
"""

import jax, jax.numpy as jnp
import numpy as np

HIDDEN_SIZE = 128
NUM_SCALES = 100000
BATCH = 16384

def setup_inputs(seed: int = 0) -> dict:
    key = jax.random.key(seed)
    k1, k2 = jax.random.split(key)
    scale = jax.random.randint(k1, (BATCH, 1), 0, NUM_SCALES, dtype=jnp.int64)
    # learned parameter: scale_embeddings of shape [1, num_scales + 1, hidden_size]
    scale_embeddings = jax.random.normal(k2, (1, NUM_SCALES + 1, HIDDEN_SIZE), dtype=jnp.float32) * 0.02
    return {"scale": scale, "scale_embeddings": scale_embeddings}

def reference(scale, scale_embeddings):
    # scale: int64[B, 1]; take first column, clamp to [0, num_scales-1], shift by +1
    s = jnp.clip(scale[:, 0], 0, NUM_SCALES - 1) + 1
    s = s.astype(jnp.int32)
    # gather rows from the embedding table: result shape [1, B, hidden_size]
    out = jnp.take(scale_embeddings, s, axis=1)
    return out

if __name__ == "__main__":
    import jax
    _d = setup_inputs()
    print(jax.jit(kernel)(*tuple(_d.values())))

</pallas_src>

<mosaic_0001>
#map = affine_map<(d0, d1) -> (0)>
#map1 = affine_map<(d0, d1) -> (0, 0, 0)>
module attributes {stable_mosaic.version = 14 : i64} {
  func.func @_body(%arg0: i32, %arg1: i32, %arg2: memref<16384xi32, #tpu.memory_space<hbm>>, %arg3: memref<100001x1x128xf32, #tpu.memory_space<hbm>>, %arg4: memref<1x16384x128xf32, #tpu.memory_space<hbm>>, %arg5: memref<512xi32, #tpu.memory_space<vmem>>, %arg6: memref<512x128xf32, #tpu.memory_space<vmem>>, %arg7: memref<!tpu.dma_semaphore, #tpu.memory_space<semaphore_mem>>, %arg8: memref<!tpu.dma_semaphore, #tpu.memory_space<semaphore_mem>>, %arg9: memref<!tpu.dma_semaphore, #tpu.memory_space<semaphore_mem>>, %arg10: memref<!tpu.dma_semaphore, #tpu.memory_space<semaphore_mem>>, %arg11: memref<!tpu.dma_semaphore, #tpu.memory_space<semaphore_mem>>) attributes {dimension_semantics = [#tpu.dimension_semantics<core_parallel>, #tpu.dimension_semantics<subcore_parallel>], iteration_bounds = array<i64: 2, 16>, scalar_prefetch = 0 : i64, scratch_operands = 7 : i64, tpu.core_type = #tpu.core_type<sc_vector_subcore>, window_params = [{transform_indices = #map}, {transform_indices = #map1}, {transform_indices = #map1}]} {
    %mul3A = arith.constant 2 : i32
    %mul3A_0 = arith.muli %arg1, %mul3A : i32
    %add3A = arith.addi %mul3A_0, %arg0 : i32
    %mul3A_1 = arith.constant 512 : i32
    %mul3A_2 = arith.muli %add3A, %mul3A_1 : i32
    "tpu.region"() ({
      %run_scoped3A = tpu.sem_alloc : memref<!tpu.dma_semaphore, #tpu.memory_space<semaphore_mem>>
      %dma_start3A_773 = tpu.memref_slice %arg2[%mul3A_2] : memref<16384xi32, #tpu.memory_space<hbm>> -> memref<512xi32, #tpu.memory_space<hbm>>
      %dma_start3A_774 = tpu.memref_slice %arg2[%mul3A_2] : memref<16384xi32, #tpu.memory_space<hbm>> -> memref<512xi32, #tpu.memory_space<hbm>>
      tpu.enqueue_dma source(%dma_start3A_774 : memref<512xi32, #tpu.memory_space<hbm>>) target(%arg5 : memref<512xi32, #tpu.memory_space<vmem>>) target_semaphore(%run_scoped3A : memref<!tpu.dma_semaphore, #tpu.memory_space<semaphore_mem>>)
      %dma_wait3A_775 = tpu.memref_slice %arg2[%mul3A_2] : memref<16384xi32, #tpu.memory_space<hbm>> -> memref<512xi32, #tpu.memory_space<hbm>>
      %dma_wait3A_776 = tpu.memref_slice %arg2[%mul3A_2] : memref<16384xi32, #tpu.memory_space<hbm>> -> memref<512xi32, #tpu.memory_space<hbm>>
      tpu.wait_dma2 semaphore(%run_scoped3A : memref<!tpu.dma_semaphore, #tpu.memory_space<semaphore_mem>>) src(%dma_wait3A_776 : memref<512xi32, #tpu.memory_space<hbm>>) dst(%arg5 : memref<512xi32, #tpu.memory_space<vmem>>)
      tpu.yield
    }) : () -> ()
    %get3A = arith.constant 0 : index
    %get3A_3 = tpu.vector_load %arg5[%get3A] {strides = array<i32>} : memref<512xi32, #tpu.memory_space<vmem>>, vector<16xi32>,
    %get3A_4 = vector.shape_cast %get3A_3 : vector<16xi32> to vector<16xi32>
    %max3A = arith.constant 0 : i32
    %max3A_5 = vector.broadcast %max3A : i32 to vector<16xi32>
    %max3A_6 = arith.maxsi %get3A_4, %max3A_5 : vector<16xi32>
    %min3A = arith.constant 99999 : i32
    %min3A_7 = vector.broadcast %min3A : i32 to vector<16xi32>
    %min3A_8 = arith.minsi %max3A_6, %min3A_7 : vector<16xi32>
    %add3A_9 = arith.constant 1 : i32
    %add3A_10 = vector.broadcast %add3A_9 : i32 to vector<16xi32>
    %add3A_11 = arith.addi %min3A_8, %add3A_10 : vector<16xi32>
    %swap3A = arith.constant 0 : index
    %swap3A_12 = tpu.vector_load %arg5[%swap3A] {strides = array<i32>} : memref<512xi32, #tpu.memory_space<vmem>>, vector<16xi32>,
    %swap3A_13 = vector.shape_cast %swap3A_12 : vector<16xi32> to vector<16xi32>
    %swap3A_14 = vector.shape_cast %add3A_11 : vector<16xi32> to vector<16xi32>
    tpu.vector_store %arg5[%swap3A], %swap3A_14 {strides = array<i32>} : memref<512xi32, #tpu.memory_space<vmem>>, vector<16xi32>,
    %get3A_15 = arith.constant 16 : index
    %get3A_16 = tpu.vector_load %arg5[%get3A_15] {strides = array<i32>} : memref<512xi32, #tpu.memory_space<vmem>>, vector<16xi32>,
    %get3A_17 = vector.shape_cast %get3A_16 : vector<16xi32> to vector<16xi32>
    %max3A_18 = arith.constant 0 : i32
    %max3A_19 = vector.broadcast %max3A_18 : i32 to vector<16xi32>
    %max3A_20 = arith.maxsi %get3A_17, %max3A_19 : vector<16xi32>
    %min3A_21 = arith.constant 99999 : i32
    %min3A_22 = vector.broadcast %min3A_21 : i32 to vector<16xi32>
    %min3A_23 = arith.minsi %max3A_20, %min3A_22 : vector<16xi32>
    %add3A_24 = arith.constant 1 : i32
    %add3A_25 = vector.broadcast %add3A_24 : i32 to vector<16xi32>
    %add3A_26 = arith.addi %min3A_23, %add3A_25 : vector<16xi32>
    %swap3A_27 = arith.constant 16 : index
    %swap3A_28 = tpu.vector_load %arg5[%swap3A_27] {strides = array<i32>} : memref<512xi32, #tpu.memory_space<vmem>>, vector<16xi32>,
    %swap3A_29 = vector.shape_cast %swap3A_28 : vector<16xi32> to vector<16xi32>
    %swap3A_30 = vector.shape_cast %add3A_26 : vector<16xi32> to vector<16xi32>
    tpu.vector_store %arg5[%swap3A_27], %swap3A_30 {strides = array<i32>} : memref<512xi32, #tpu.memory_space<vmem>>, vector<16xi32>,
    %get3A_31 = arith.constant 32 : index
    %get3A_32 = tpu.vector_load %arg5[%get3A_31] {strides = array<i32>} : memref<512xi32, #tpu.memory_space<vmem>>, vector<16xi32>,
    %get3A_33 = vector.shape_cast %get3A_32 : vector<16xi32> to vector<16xi32>
    %max3A_34 = arith.constant 0 : i32
    %max3A_35 = vector.broadcast %max3A_34 : i32 to vector<16xi32>
    %max3A_36 = arith.maxsi %get3A_33, %max3A_35 : vector<16xi32>
    %min3A_37 = arith.constant 99999 : i32
    %min3A_38 = vector.broadcast %min3A_37 : i32 to vector<16xi32>
    %min3A_39 = arith.minsi %max3A_36, %min3A_38 : vector<16xi32>
    %add3A_40 = arith.constant 1 : i32
    %add3A_41 = vector.broadcast %add3A_40 : i32 to vector<16xi32>
    %add3A_42 = arith.addi %min3A_39, %add3A_41 : vector<16xi32>
    %swap3A_43 = arith.constant 32 : index
    %swap3A_44 = tpu.vector_load %arg5[%swap3A_43] {strides = array<i32>} : memref<512xi32, #tpu.memory_space<vmem>>, vector<16xi32>,
    %swap3A_45 = vector.shape_cast %swap3A_44 : vector<16xi32> to vector<16xi32>
    %swap3A_46 = vector.shape_cast %add3A_42 : vector<16xi32> to vector<16xi32>
    tpu.vector_store %arg5[%swap3A_43], %swap3A_46 {strides = array<i32>} : memref<512xi32, #tpu.memory_space<vmem>>, vector<16xi32>,
    %get3A_47 = arith.constant 48 : index
    %get3A_48 = tpu.vector_load %arg5[%get3A_47] {strides = array<i32>} : memref<512xi32, #tpu.memory_space<vmem>>, vector<16xi32>,
    %get3A_49 = vector.shape_cast %get3A_48 : vector<16xi32> to vector<16xi32>
    %max3A_50 = arith.constant 0 : i32
    %max3A_51 = vector.broadcast %max3A_50 : i32 to vector<16xi32>
    %max3A_52 = arith.maxsi %get3A_49, %max3A_51 : vector<16xi32>
    %min3A_53 = arith.constant 99999 : i32
    %min3A_54 = vector.broadcast %min3A_53 : i32 to vector<16xi32>
    %min3A_55 = arith.minsi %max3A_52, %min3A_54 : vector<16xi32>
    %add3A_56 = arith.constant 1 : i32
    %add3A_57 = vector.broadcast %add3A_56 : i32 to vector<16xi32>
    %add3A_58 = arith.addi %min3A_55, %add3A_57 : vector<16xi32>
    %swap3A_59 = arith.constant 48 : index
    %swap3A_60 = tpu.vector_load %arg5[%swap3A_59] {strides = array<i32>} : memref<512xi32, #tpu.memory_space<vmem>>, vector<16xi32>,
    %swap3A_61 = vector.shape_cast %swap3A_60 : vector<16xi32> to vector<16xi32>
    %swap3A_62 = vector.shape_cast %add3A_58 : vector<16xi32> to vector<16xi32>
    tpu.vector_store %arg5[%swap3A_59], %swap3A_62 {strides = array<i32>} : memref<512xi32, #tpu.memory_space<vmem>>, vector<16xi32>,
    %get3A_63 = arith.constant 64 : index
    %get3A_64 = tpu.vector_load %arg5[%get3A_63] {strides = array<i32>} : memref<512xi32, #tpu.memory_space<vmem>>, vector<16xi32>,
    %get3A_65 = vector.shape_cast %get3A_64 : vector<16xi32> to vector<16xi32>
    %max3A_66 = arith.constant 0 : i32
    %max3A_67 = vector.broadcast %max3A_66 : i32 to vector<16xi32>
    %max3A_68 = arith.maxsi %get3A_65, %max3A_67 : vector<16xi32>
    %min3A_69 = arith.constant 99999 : i32
    %min3A_70 = vector.broadcast %min3A_69 : i32 to vector<16xi32>
    %min3A_71 = arith.minsi %max3A_68, %min3A_70 : vector<16xi32>
    %add3A_72 = arith.constant 1 : i32
    %add3A_73 = vector.broadcast %add3A_72 : i32 to vector<16xi32>
    %add3A_74 = arith.addi %min3A_71, %add3A_73 : vector<16xi32>
    %swap3A_75 = arith.constant 64 : index
    %swap3A_76 = tpu.vector_load %arg5[%swap3A_75] {strides = array<i32>} : memref<512xi32, #tpu.memory_space<vmem>>, vector<16xi32>,
    %swap3A_77 = vector.shape_cast %swap3A_76 : vector<16xi32> to vector<16xi32>
    %swap3A_78 = vector.shape_cast %add3A_74 : vector<16xi32> to vector<16xi32>
    tpu.vector_store %arg5[%swap3A_75], %swap3A_78 {strides = array<i32>} : memref<512xi32, #tpu.memory_space<vmem>>, vector<16xi32>,
    %get3A_79 = arith.constant 80 : index
    %get3A_80 = tpu.vector_load %arg5[%get3A_79] {strides = array<i32>} : memref<512xi32, #tpu.memory_space<vmem>>, vector<16xi32>,
    %get3A_81 = vector.shape_cast %get3A_80 : vector<16xi32> to vector<16xi32>
    %max3A_82 = arith.constant 0 : i32
    %max3A_83 = vector.broadcast %max3A_82 : i32 to vector<16xi32>
    %max3A_84 = arith.maxsi %get3A_81, %max3A_83 : vector<16xi32>
    %min3A_85 = arith.constant 99999 : i32
    %min3A_86 = vector.broadcast %min3A_85 : i32 to vector<16xi32>
    %min3A_87 = arith.minsi %max3A_84, %min3A_86 : vector<16xi32>
    %add3A_88 = arith.constant 1 : i32
    %add3A_89 = vector.broadcast %add3A_88 : i32 to vector<16xi32>
    %add3A_90 = arith.addi %min3A_87, %add3A_89 : vector<16xi32>
    %swap3A_91 = arith.constant 80 : index
    %swap3A_92 = tpu.vector_load %arg5[%swap3A_91] {strides = array<i32>} : memref<512xi32, #tpu.memory_space<vmem>>, vector<16xi32>,
    %swap3A_93 = vector.shape_cast %swap3A_92 : vector<16xi32> to vector<16xi32>
    %swap3A_94 = vector.shape_cast %add3A_90 : vector<16xi32> to vector<16xi32>
    tpu.vector_store %arg5[%swap3A_91], %swap3A_94 {strides = array<i32>} : memref<512xi32, #tpu.memory_space<vmem>>, vector<16xi32>,
    %get3A_95 = arith.constant 96 : index
    %get3A_96 = tpu.vector_load %arg5[%get3A_95] {strides = array<i32>} : memref<512xi32, #tpu.memory_space<vmem>>, vector<16xi32>,
    %get3A_97 = vector.shape_cast %get3A_96 : vector<16xi32> to vector<16xi32>
    %max3A_98 = arith.constant 0 : i32
    %max3A_99 = vector.broadcast %max3A_98 : i32 to vector<16xi32>
    %max3A_100 = arith.maxsi %get3A_97, %max3A_99 : vector<16xi32>
    %min3A_101 = arith.constant 99999 : i32
    %min3A_102 = vector.broadcast %min3A_101 : i32 to vector<16xi32>
    %min3A_103 = arith.minsi %max3A_100, %min3A_102 : vector<16xi32>
    %add3A_104 = arith.constant 1 : i32
    %add3A_105 = vector.broadcast %add3A_104 : i32 to vector<16xi32>
    %add3A_106 = arith.addi %min3A_103, %add3A_105 : vector<16xi32>
    %swap3A_107 = arith.constant 96 : index
    %swap3A_108 = tpu.vector_load %arg5[%swap3A_107] {strides = array<i32>} : memref<512xi32, #tpu.memory_space<vmem>>, vector<16xi32>,
    %swap3A_109 = vector.shape_cast %swap3A_108 : vector<16xi32> to vector<16xi32>
    %swap3A_110 = vector.shape_cast %add3A_106 : vector<16xi32> to vector<16xi32>
    tpu.vector_store %arg5[%swap3A_107], %swap3A_110 {strides = array<i32>} : memref<512xi32, #tpu.memory_space<vmem>>, vector<16xi32>,
    %get3A_111 = arith.constant 112 : index
    %get3A_112 = tpu.vector_load %arg5[%get3A_111] {strides = array<i32>} : memref<512xi32, #tpu.memory_space<vmem>>, vector<16xi32>,
    %get3A_113 = vector.shape_cast %get3A_112 : vector<16xi32> to vector<16xi32>
    %max3A_114 = arith.constant 0 : i32
    %max3A_115 = vector.broadcast %max3A_114 : i32 to vector<16xi32>
    %max3A_116 = arith.maxsi %get3A_113, %max3A_115 : vector<16xi32>
    %min3A_117 = arith.constant 99999 : i32
    %min3A_118 = vector.broadcast %min3A_117 : i32 to vector<16xi32>
    %min3A_119 = arith.minsi %max3A_116, %min3A_118 : vector<16xi32>
    %add3A_120 = arith.constant 1 : i32
    %add3A_121 = vector.broadcast %add3A_120 : i32 to vector<16xi32>
    %add3A_122 = arith.addi %min3A_119, %add3A_121 : vector<16xi32>
    %swap3A_123 = arith.constant 112 : index
    %swap3A_124 = tpu.vector_load %arg5[%swap3A_123] {strides = array<i32>} : memref<512xi32, #tpu.memory_space<vmem>>, vector<16xi32>,
    %swap3A_125 = vector.shape_cast %swap3A_124 : vector<16xi32> to vector<16xi32>
    %swap3A_126 = vector.shape_cast %add3A_122 : vector<16xi32> to vector<16xi32>
    tpu.vector_store %arg5[%swap3A_123], %swap3A_126 {strides = array<i32>} : memref<512xi32, #tpu.memory_space<vmem>>, vector<16xi32>,
    %dma_start3A = arith.constant 0 : i32
    %dma_start3A_127 = arith.constant 0 : i32
    %dma_start3A_128 = arith.constant 0 : i32
    %dma_start3A_129 = tpu.memref_slice %arg6[%dma_start3A_127, %dma_start3A_128] : memref<512x128xf32, #tpu.memory_space<vmem>> -> memref<128x128xf32, #tpu.memory_space<vmem>>
    %dma_start3A_130 = arith.constant 0 : i32
    %dma_start3A_131 = tpu.memref_slice %arg5[%dma_start3A_130] : memref<512xi32, #tpu.memory_space<vmem>> -> memref<128xi32, #tpu.memory_space<vmem>>
    %dma_start3A_132 = arith.constant 0 : i32
    %dma_start3A_133 = arith.constant 0 : i32
    %dma_start3A_134 = tpu.memref_slice %arg3[%dma_start3A_132, %dma_start3A, %dma_start3A_133] : memref<100001x1x128xf32, #tpu.memory_space<hbm>> -> memref<100001x1x128xf32, #tpu.memory_space<hbm>>
    %dma_start3A_135 = tpu.memref_squeeze %dma_start3A_134 : memref<100001x1x128xf32, #tpu.memory_space<hbm>> -> memref<100001x128xf32, #tpu.memory_space<hbm>>
    %dma_start3A_136 = arith.constant 0 : i32
    %dma_start3A_137 = arith.constant 0 : i32
    %dma_start3A_138 = tpu.memref_slice %dma_start3A_135[%dma_start3A_136, %dma_start3A_137] : memref<100001x128xf32, #tpu.memory_space<hbm>> -> memref<100001x128xf32, #tpu.memory_space<hbm>>
    tpu.enqueue_indirect_dma source(%dma_start3A_138 : memref<100001x128xf32, #tpu.memory_space<hbm>>) target(%dma_start3A_129 : memref<128x128xf32, #tpu.memory_space<vmem>>) offsets(%dma_start3A_131 : memref<128xi32, #tpu.memory_space<vmem>>) semaphore(%arg8 : memref<!tpu.dma_semaphore, #tpu.memory_space<semaphore_mem>>)
    %get3A_139 = arith.constant 128 : index
    %get3A_140 = tpu.vector_load %arg5[%get3A_139] {strides = array<i32>} : memref<512xi32, #tpu.memory_space<vmem>>, vector<16xi32>,
    %get3A_141 = vector.shape_cast %get3A_140 : vector<16xi32> to vector<16xi32>
    %max3A_142 = arith.constant 0 : i32
    %max3A_143 = vector.broadcast %max3A_142 : i32 to vector<16xi32>
    %max3A_144 = arith.maxsi %get3A_141, %max3A_143 : vector<16xi32>
    %min3A_145 = arith.constant 99999 : i32
    %min3A_146 = vector.broadcast %min3A_145 : i32 to vector<16xi32>
    %min3A_147 = arith.minsi %max3A_144, %min3A_146 : vector<16xi32>
    %add3A_148 = arith.constant 1 : i32
    %add3A_149 = vector.broadcast %add3A_148 : i32 to vector<16xi32>
    %add3A_150 = arith.addi %min3A_147, %add3A_149 : vector<16xi32>
    %swap3A_151 = arith.constant 128 : index
    %swap3A_152 = tpu.vector_load %arg5[%swap3A_151] {strides = array<i32>} : memref<512xi32, #tpu.memory_space<vmem>>, vector<16xi32>,
    %swap3A_153 = vector.shape_cast %swap3A_152 : vector<16xi32> to vector<16xi32>
    %swap3A_154 = vector.shape_cast %add3A_150 : vector<16xi32> to vector<16xi32>
    tpu.vector_store %arg5[%swap3A_151], %swap3A_154 {strides = array<i32>} : memref<512xi32, #tpu.memory_space<vmem>>, vector<16xi32>,
    %get3A_155 = arith.constant 144 : index
    %get3A_156 = tpu.vector_load %arg5[%get3A_155] {strides = array<i32>} : memref<512xi32, #tpu.memory_space<vmem>>, vector<16xi32>,
    %get3A_157 = vector.shape_cast %get3A_156 : vector<16xi32> to vector<16xi32>
    %max3A_158 = arith.constant 0 : i32
    %max3A_159 = vector.broadcast %max3A_158 : i32 to vector<16xi32>
    %max3A_160 = arith.maxsi %get3A_157, %max3A_159 : vector<16xi32>
    %min3A_161 = arith.constant 99999 : i32
    %min3A_162 = vector.broadcast %min3A_161 : i32 to vector<16xi32>
    %min3A_163 = arith.minsi %max3A_160, %min3A_162 : vector<16xi32>
    %add3A_164 = arith.constant 1 : i32
    %add3A_165 = vector.broadcast %add3A_164 : i32 to vector<16xi32>
    %add3A_166 = arith.addi %min3A_163, %add3A_165 : vector<16xi32>
    %swap3A_167 = arith.constant 144 : index
    %swap3A_168 = tpu.vector_load %arg5[%swap3A_167] {strides = array<i32>} : memref<512xi32, #tpu.memory_space<vmem>>, vector<16xi32>,
    %swap3A_169 = vector.shape_cast %swap3A_168 : vector<16xi32> to vector<16xi32>
    %swap3A_170 = vector.shape_cast %add3A_166 : vector<16xi32> to vector<16xi32>
    tpu.vector_store %arg5[%swap3A_167], %swap3A_170 {strides = array<i32>} : memref<512xi32, #tpu.memory_space<vmem>>, vector<16xi32>,
    %get3A_171 = arith.constant 160 : index
    %get3A_172 = tpu.vector_load %arg5[%get3A_171] {strides = array<i32>} : memref<512xi32, #tpu.memory_space<vmem>>, vector<16xi32>,
    %get3A_173 = vector.shape_cast %get3A_172 : vector<16xi32> to vector<16xi32>
    %max3A_174 = arith.constant 0 : i32
    %max3A_175 = vector.broadcast %max3A_174 : i32 to vector<16xi32>
    %max3A_176 = arith.maxsi %get3A_173, %max3A_175 : vector<16xi32>
    %min3A_177 = arith.constant 99999 : i32
    %min3A_178 = vector.broadcast %min3A_177 : i32 to vector<16xi32>
    %min3A_179 = arith.minsi %max3A_176, %min3A_178 : vector<16xi32>
    %add3A_180 = arith.constant 1 : i32
    %add3A_181 = vector.broadcast %add3A_180 : i32 to vector<16xi32>
    %add3A_182 = arith.addi %min3A_179, %add3A_181 : vector<16xi32>
    %swap3A_183 = arith.constant 160 : index
    %swap3A_184 = tpu.vector_load %arg5[%swap3A_183] {strides = array<i32>} : memref<512xi32, #tpu.memory_space<vmem>>, vector<16xi32>,
    %swap3A_185 = vector.shape_cast %swap3A_184 : vector<16xi32> to vector<16xi32>
    %swap3A_186 = vector.shape_cast %add3A_182 : vector<16xi32> to vector<16xi32>
    tpu.vector_store %arg5[%swap3A_183], %swap3A_186 {strides = array<i32>} : memref<512xi32, #tpu.memory_space<vmem>>, vector<16xi32>,
    %get3A_187 = arith.constant 176 : index
    %get3A_188 = tpu.vector_load %arg5[%get3A_187] {strides = array<i32>} : memref<512xi32, #tpu.memory_space<vmem>>, vector<16xi32>,
    %get3A_189 = vector.shape_cast %get3A_188 : vector<16xi32> to vector<16xi32>
    %max3A_190 = arith.constant 0 : i32
    %max3A_191 = vector.broadcast %max3A_190 : i32 to vector<16xi32>
    %max3A_192 = arith.maxsi %get3A_189, %max3A_191 : vector<16xi32>
    %min3A_193 = arith.constant 99999 : i32
    %min3A_194 = vector.broadcast %min3A_193 : i32 to vector<16xi32>
    %min3A_195 = arith.minsi %max3A_192, %min3A_194 : vector<16xi32>
    %add3A_196 = arith.constant 1 : i32
    %add3A_197 = vector.broadcast %add3A_196 : i32 to vector<16xi32>
    %add3A_198 = arith.addi %min3A_195, %add3A_197 : vector<16xi32>
    %swap3A_199 = arith.constant 176 : index
    %swap3A_200 = tpu.vector_load %arg5[%swap3A_199] {strides = array<i32>} : memref<512xi32, #tpu.memory_space<vmem>>, vector<16xi32>,
    %swap3A_201 = vector.shape_cast %swap3A_200 : vector<16xi32> to vector<16xi32>
    %swap3A_202 = vector.shape_cast %add3A_198 : vector<16xi32> to vector<16xi32>
    tpu.vector_store %arg5[%swap3A_199], %swap3A_202 {strides = array<i32>} : memref<512xi32, #tpu.memory_space<vmem>>, vector<16xi32>,
    %get3A_203 = arith.constant 192 : index
    %get3A_204 = tpu.vector_load %arg5[%get3A_203] {strides = array<i32>} : memref<512xi32, #tpu.memory_space<vmem>>, vector<16xi32>,
    %get3A_205 = vector.shape_cast %get3A_204 : vector<16xi32> to vector<16xi32>
    %max3A_206 = arith.constant 0 : i32
    %max3A_207 = vector.broadcast %max3A_206 : i32 to vector<16xi32>
    %max3A_208 = arith.maxsi %get3A_205, %max3A_207 : vector<16xi32>
    %min3A_209 = arith.constant 99999 : i32
    %min3A_210 = vector.broadcast %min3A_209 : i32 to vector<16xi32>
    %min3A_211 = arith.minsi %max3A_208, %min3A_210 : vector<16xi32>
    %add3A_212 = arith.constant 1 : i32
    %add3A_213 = vector.broadcast %add3A_212 : i32 to vector<16xi32>
    %add3A_214 = arith.addi %min3A_211, %add3A_213 : vector<16xi32>
    %swap3A_215 = arith.constant 192 : index
    %swap3A_216 = tpu.vector_load %arg5[%swap3A_215] {strides = array<i32>} : memref<512xi32, #tpu.memory_space<vmem>>, vector<16xi32>,
    %swap3A_217 = vector.shape_cast %swap3A_216 : vector<16xi32> to vector<16xi32>
    %swap3A_218 = vector.shape_cast %add3A_214 : vector<16xi32> to vector<16xi32>
    tpu.vector_store %arg5[%swap3A_215], %swap3A_218 {strides = array<i32>} : memref<512xi32, #tpu.memory_space<vmem>>, vector<16xi32>,
    %get3A_219 = arith.constant 208 : index
    %get3A_220 = tpu.vector_load %arg5[%get3A_219] {strides = array<i32>} : memref<512xi32, #tpu.memory_space<vmem>>, vector<16xi32>,
    %get3A_221 = vector.shape_cast %get3A_220 : vector<16xi32> to vector<16xi32>
    %max3A_222 = arith.constant 0 : i32
    %max3A_223 = vector.broadcast %max3A_222 : i32 to vector<16xi32>
    %max3A_224 = arith.maxsi %get3A_221, %max3A_223 : vector<16xi32>
    %min3A_225 = arith.constant 99999 : i32
    %min3A_226 = vector.broadcast %min3A_225 : i32 to vector<16xi32>
    %min3A_227 = arith.minsi %max3A_224, %min3A_226 : vector<16xi32>
    %add3A_228 = arith.constant 1 : i32
    %add3A_229 = vector.broadcast %add3A_228 : i32 to vector<16xi32>
    %add3A_230 = arith.addi %min3A_227, %add3A_229 : vector<16xi32>
    %swap3A_231 = arith.constant 208 : index
    %swap3A_232 = tpu.vector_load %arg5[%swap3A_231] {strides = array<i32>} : memref<512xi32, #tpu.memory_space<vmem>>, vector<16xi32>,
    %swap3A_233 = vector.shape_cast %swap3A_232 : vector<16xi32> to vector<16xi32>
    %swap3A_234 = vector.shape_cast %add3A_230 : vector<16xi32> to vector<16xi32>
    tpu.vector_store %arg5[%swap3A_231], %swap3A_234 {strides = array<i32>} : memref<512xi32, #tpu.memory_space<vmem>>, vector<16xi32>,
    %get3A_235 = arith.constant 224 : index
    %get3A_236 = tpu.vector_load %arg5[%get3A_235] {strides = array<i32>} : memref<512xi32, #tpu.memory_space<vmem>>, vector<16xi32>,
    %get3A_237 = vector.shape_cast %get3A_236 : vector<16xi32> to vector<16xi32>
    %max3A_238 = arith.constant 0 : i32
    %max3A_239 = vector.broadcast %max3A_238 : i32 to vector<16xi32>
    %max3A_240 = arith.maxsi %get3A_237, %max3A_239 : vector<16xi32>
    %min3A_241 = arith.constant 99999 : i32
    %min3A_242 = vector.broadcast %min3A_241 : i32 to vector<16xi32>
    %min3A_243 = arith.minsi %max3A_240, %min3A_242 : vector<16xi32>
    %add3A_244 = arith.constant 1 : i32
    %add3A_245 = vector.broadcast %add3A_244 : i32 to vector<16xi32>
    %add3A_246 = arith.addi %min3A_243, %add3A_245 : vector<16xi32>
    %swap3A_247 = arith.constant 224 : index
    %swap3A_248 = tpu.vector_load %arg5[%swap3A_247] {strides = array<i32>} : memref<512xi32, #tpu.memory_space<vmem>>, vector<16xi32>,
    %swap3A_249 = vector.shape_cast %swap3A_248 : vector<16xi32> to vector<16xi32>
    %swap3A_250 = vector.shape_cast %add3A_246 : vector<16xi32> to vector<16xi32>
    tpu.vector_store %arg5[%swap3A_247], %swap3A_250 {strides = array<i32>} : memref<512xi32, #tpu.memory_space<vmem>>, vector<16xi32>,
    %get3A_251 = arith.constant 240 : index
    %get3A_252 = tpu.vector_load %arg5[%get3A_251] {strides = array<i32>} : memref<512xi32, #tpu.memory_space<vmem>>, vector<16xi32>,
    %get3A_253 = vector.shape_cast %get3A_252 : vector<16xi32> to vector<16xi32>
    %max3A_254 = arith.constant 0 : i32
    %max3A_255 = vector.broadcast %max3A_254 : i32 to vector<16xi32>
    %max3A_256 = arith.maxsi %get3A_253, %max3A_255 : vector<16xi32>
    %min3A_257 = arith.constant 99999 : i32
    %min3A_258 = vector.broadcast %min3A_257 : i32 to vector<16xi32>
    %min3A_259 = arith.minsi %max3A_256, %min3A_258 : vector<16xi32>
    %add3A_260 = arith.constant 1 : i32
    %add3A_261 = vector.broadcast %add3A_260 : i32 to vector<16xi32>
    %add3A_262 = arith.addi %min3A_259, %add3A_261 : vector<16xi32>
    %swap3A_263 = arith.constant 240 : index
    %swap3A_264 = tpu.vector_load %arg5[%swap3A_263] {strides = array<i32>} : memref<512xi32, #tpu.memory_space<vmem>>, vector<16xi32>,
    %swap3A_265 = vector.shape_cast %swap3A_264 : vector<16xi32> to vector<16xi32>
    %swap3A_266 = vector.shape_cast %add3A_262 : vector<16xi32> to vector<16xi32>
    tpu.vector_store %arg5[%swap3A_263], %swap3A_266 {strides = array<i32>} : memref<512xi32, #tpu.memory_space<vmem>>, vector<16xi32>,
    %dma_start3A_267 = arith.constant 0 : i32
    %dma_start3A_268 = arith.constant 128 : i32
    %dma_start3A_269 = arith.constant 0 : i32
    %dma_start3A_270 = tpu.memref_slice %arg6[%dma_start3A_268, %dma_start3A_269] : memref<512x128xf32, #tpu.memory_space<vmem>> -> memref<128x128xf32, #tpu.memory_space<vmem>>
    %dma_start3A_271 = arith.constant 128 : i32
    %dma_start3A_272 = tpu.memref_slice %arg5[%dma_start3A_271] : memref<512xi32, #tpu.memory_space<vmem>> -> memref<128xi32, #tpu.memory_space<vmem>>
    %dma_start3A_273 = arith.constant 0 : i32
    %dma_start3A_274 = arith.constant 0 : i32
    %dma_start3A_275 = tpu.memref_slice %arg3[%dma_start3A_273, %dma_start3A_267, %dma_start3A_274] : memref<100001x1x128xf32, #tpu.memory_space<hbm>> -> memref<100001x1x128xf32, #tpu.memory_space<hbm>>
    %dma_start3A_276 = tpu.memref_squeeze %dma_start3A_275 : memref<100001x1x128xf32, #tpu.memory_space<hbm>> -> memref<100001x128xf32, #tpu.memory_space<hbm>>
    %dma_start3A_277 = arith.constant 0 : i32
    %dma_start3A_278 = arith.constant 0 : i32
    %dma_start3A_279 = tpu.memref_slice %dma_start3A_276[%dma_start3A_277, %dma_start3A_278] : memref<100001x128xf32, #tpu.memory_space<hbm>> -> memref<100001x128xf32, #tpu.memory_space<hbm>>
    tpu.enqueue_indirect_dma source(%dma_start3A_279 : memref<100001x128xf32, #tpu.memory_space<hbm>>) target(%dma_start3A_270 : memref<128x128xf32, #tpu.memory_space<vmem>>) offsets(%dma_start3A_272 : memref<128xi32, #tpu.memory_space<vmem>>) semaphore(%arg9 : memref<!tpu.dma_semaphore, #tpu.memory_space<semaphore_mem>>)
    %get3A_280 = arith.constant 256 : index
    %get3A_281 = tpu.vector_load %arg5[%get3A_280] {strides = array<i32>} : memref<512xi32, #tpu.memory_space<vmem>>, vector<16xi32>,
    %get3A_282 = vector.shape_cast %get3A_281 : vector<16xi32> to vector<16xi32>
    %max3A_283 = arith.constant 0 : i32
    %max3A_284 = vector.broadcast %max3A_283 : i32 to vector<16xi32>
    %max3A_285 = arith.maxsi %get3A_282, %max3A_284 : vector<16xi32>
    %min3A_286 = arith.constant 99999 : i32
    %min3A_287 = vector.broadcast %min3A_286 : i32 to vector<16xi32>
    %min3A_288 = arith.minsi %max3A_285, %min3A_287 : vector<16xi32>
    %add3A_289 = arith.constant 1 : i32
    %add3A_290 = vector.broadcast %add3A_289 : i32 to vector<16xi32>
    %add3A_291 = arith.addi %min3A_288, %add3A_290 : vector<16xi32>
    %swap3A_292 = arith.constant 256 : index
    %swap3A_293 = tpu.vector_load %arg5[%swap3A_292] {strides = array<i32>} : memref<512xi32, #tpu.memory_space<vmem>>, vector<16xi32>,
    %swap3A_294 = vector.shape_cast %swap3A_293 : vector<16xi32> to vector<16xi32>
    %swap3A_295 = vector.shape_cast %add3A_291 : vector<16xi32> to vector<16xi32>
    tpu.vector_store %arg5[%swap3A_292], %swap3A_295 {strides = array<i32>} : memref<512xi32, #tpu.memory_space<vmem>>, vector<16xi32>,
    %get3A_296 = arith.constant 272 : index
    %get3A_297 = tpu.vector_load %arg5[%get3A_296] {strides = array<i32>} : memref<512xi32, #tpu.memory_space<vmem>>, vector<16xi32>,
    %get3A_298 = vector.shape_cast %get3A_297 : vector<16xi32> to vector<16xi32>
    %max3A_299 = arith.constant 0 : i32
    %max3A_300 = vector.broadcast %max3A_299 : i32 to vector<16xi32>
    %max3A_301 = arith.maxsi %get3A_298, %max3A_300 : vector<16xi32>
    %min3A_302 = arith.constant 99999 : i32
    %min3A_303 = vector.broadcast %min3A_302 : i32 to vector<16xi32>
    %min3A_304 = arith.minsi %max3A_301, %min3A_303 : vector<16xi32>
    %add3A_305 = arith.constant 1 : i32
    %add3A_306 = vector.broadcast %add3A_305 : i32 to vector<16xi32>
    %add3A_307 = arith.addi %min3A_304, %add3A_306 : vector<16xi32>
    %swap3A_308 = arith.constant 272 : index
    %swap3A_309 = tpu.vector_load %arg5[%swap3A_308] {strides = array<i32>} : memref<512xi32, #tpu.memory_space<vmem>>, vector<16xi32>,
    %swap3A_310 = vector.shape_cast %swap3A_309 : vector<16xi32> to vector<16xi32>
    %swap3A_311 = vector.shape_cast %add3A_307 : vector<16xi32> to vector<16xi32>
    tpu.vector_store %arg5[%swap3A_308], %swap3A_311 {strides = array<i32>} : memref<512xi32, #tpu.memory_space<vmem>>, vector<16xi32>,
    %get3A_312 = arith.constant 288 : index
    %get3A_313 = tpu.vector_load %arg5[%get3A_312] {strides = array<i32>} : memref<512xi32, #tpu.memory_space<vmem>>, vector<16xi32>,
    %get3A_314 = vector.shape_cast %get3A_313 : vector<16xi32> to vector<16xi32>
    %max3A_315 = arith.constant 0 : i32
    %max3A_316 = vector.broadcast %max3A_315 : i32 to vector<16xi32>
    %max3A_317 = arith.maxsi %get3A_314, %max3A_316 : vector<16xi32>
    %min3A_318 = arith.constant 99999 : i32
    %min3A_319 = vector.broadcast %min3A_318 : i32 to vector<16xi32>
    %min3A_320 = arith.minsi %max3A_317, %min3A_319 : vector<16xi32>
    %add3A_321 = arith.constant 1 : i32
    %add3A_322 = vector.broadcast %add3A_321 : i32 to vector<16xi32>
    %add3A_323 = arith.addi %min3A_320, %add3A_322 : vector<16xi32>
    %swap3A_324 = arith.constant 288 : index
    %swap3A_325 = tpu.vector_load %arg5[%swap3A_324] {strides = array<i32>} : memref<512xi32, #tpu.memory_space<vmem>>, vector<16xi32>,
    %swap3A_326 = vector.shape_cast %swap3A_325 : vector<16xi32> to vector<16xi32>
    %swap3A_327 = vector.shape_cast %add3A_323 : vector<16xi32> to vector<16xi32>
    tpu.vector_store %arg5[%swap3A_324], %swap3A_327 {strides = array<i32>} : memref<512xi32, #tpu.memory_space<vmem>>, vector<16xi32>,
    %get3A_328 = arith.constant 304 : index
    %get3A_329 = tpu.vector_load %arg5[%get3A_328] {strides = array<i32>} : memref<512xi32, #tpu.memory_space<vmem>>, vector<16xi32>,
    %get3A_330 = vector.shape_cast %get3A_329 : vector<16xi32> to vector<16xi32>
    %max3A_331 = arith.constant 0 : i32
    %max3A_332 = vector.broadcast %max3A_331 : i32 to vector<16xi32>
    %max3A_333 = arith.maxsi %get3A_330, %max3A_332 : vector<16xi32>
    %min3A_334 = arith.constant 99999 : i32
    %min3A_335 = vector.broadcast %min3A_334 : i32 to vector<16xi32>
    %min3A_336 = arith.minsi %max3A_333, %min3A_335 : vector<16xi32>
    %add3A_337 = arith.constant 1 : i32
    %add3A_338 = vector.broadcast %add3A_337 : i32 to vector<16xi32>
    %add3A_339 = arith.addi %min3A_336, %add3A_338 : vector<16xi32>
    %swap3A_340 = arith.constant 304 : index
    %swap3A_341 = tpu.vector_load %arg5[%swap3A_340] {strides = array<i32>} : memref<512xi32, #tpu.memory_space<vmem>>, vector<16xi32>,
    %swap3A_342 = vector.shape_cast %swap3A_341 : vector<16xi32> to vector<16xi32>
    %swap3A_343 = vector.shape_cast %add3A_339 : vector<16xi32> to vector<16xi32>
    tpu.vector_store %arg5[%swap3A_340], %swap3A_343 {strides = array<i32>} : memref<512xi32, #tpu.memory_space<vmem>>, vector<16xi32>,
    %get3A_344 = arith.constant 320 : index
    %get3A_345 = tpu.vector_load %arg5[%get3A_344] {strides = array<i32>} : memref<512xi32, #tpu.memory_space<vmem>>, vector<16xi32>,
    %get3A_346 = vector.shape_cast %get3A_345 : vector<16xi32> to vector<16xi32>
    %max3A_347 = arith.constant 0 : i32
    %max3A_348 = vector.broadcast %max3A_347 : i32 to vector<16xi32>
    %max3A_349 = arith.maxsi %get3A_346, %max3A_348 : vector<16xi32>
    %min3A_350 = arith.constant 99999 : i32
    %min3A_351 = vector.broadcast %min3A_350 : i32 to vector<16xi32>
    %min3A_352 = arith.minsi %max3A_349, %min3A_351 : vector<16xi32>
    %add3A_353 = arith.constant 1 : i32
    %add3A_354 = vector.broadcast %add3A_353 : i32 to vector<16xi32>
    %add3A_355 = arith.addi %min3A_352, %add3A_354 : vector<16xi32>
    %swap3A_356 = arith.constant 320 : index
    %swap3A_357 = tpu.vector_load %arg5[%swap3A_356] {strides = array<i32>} : memref<512xi32, #tpu.memory_space<vmem>>, vector<16xi32>,
    %swap3A_358 = vector.shape_cast %swap3A_357 : vector<16xi32> to vector<16xi32>
    %swap3A_359 = vector.shape_cast %add3A_355 : vector<16xi32> to vector<16xi32>
    tpu.vector_store %arg5[%swap3A_356], %swap3A_359 {strides = array<i32>} : memref<512xi32, #tpu.memory_space<vmem>>, vector<16xi32>,
    %get3A_360 = arith.constant 336 : index
    %get3A_361 = tpu.vector_load %arg5[%get3A_360] {strides = array<i32>} : memref<512xi32, #tpu.memory_space<vmem>>, vector<16xi32>,
    %get3A_362 = vector.shape_cast %get3A_361 : vector<16xi32> to vector<16xi32>
    %max3A_363 = arith.constant 0 : i32
    %max3A_364 = vector.broadcast %max3A_363 : i32 to vector<16xi32>
    %max3A_365 = arith.maxsi %get3A_362, %max3A_364 : vector<16xi32>
    %min3A_366 = arith.constant 99999 : i32
    %min3A_367 = vector.broadcast %min3A_366 : i32 to vector<16xi32>
    %min3A_368 = arith.minsi %max3A_365, %min3A_367 : vector<16xi32>
    %add3A_369 = arith.constant 1 : i32
    %add3A_370 = vector.broadcast %add3A_369 : i32 to vector<16xi32>
    %add3A_371 = arith.addi %min3A_368, %add3A_370 : vector<16xi32>
    %swap3A_372 = arith.constant 336 : index
    %swap3A_373 = tpu.vector_load %arg5[%swap3A_372] {strides = array<i32>} : memref<512xi32, #tpu.memory_space<vmem>>, vector<16xi32>,
    %swap3A_374 = vector.shape_cast %swap3A_373 : vector<16xi32> to vector<16xi32>
    %swap3A_375 = vector.shape_cast %add3A_371 : vector<16xi32> to vector<16xi32>
    tpu.vector_store %arg5[%swap3A_372], %swap3A_375 {strides = array<i32>} : memref<512xi32, #tpu.memory_space<vmem>>, vector<16xi32>,
    %get3A_376 = arith.constant 352 : index
    %get3A_377 = tpu.vector_load %arg5[%get3A_376] {strides = array<i32>} : memref<512xi32, #tpu.memory_space<vmem>>, vector<16xi32>,
    %get3A_378 = vector.shape_cast %get3A_377 : vector<16xi32> to vector<16xi32>
    %max3A_379 = arith.constant 0 : i32
    %max3A_380 = vector.broadcast %max3A_379 : i32 to vector<16xi32>
    %max3A_381 = arith.maxsi %get3A_378, %max3A_380 : vector<16xi32>
    %min3A_382 = arith.constant 99999 : i32
    %min3A_383 = vector.broadcast %min3A_382 : i32 to vector<16xi32>
    %min3A_384 = arith.minsi %max3A_381, %min3A_383 : vector<16xi32>
    %add3A_385 = arith.constant 1 : i32
    %add3A_386 = vector.broadcast %add3A_385 : i32 to vector<16xi32>
    %add3A_387 = arith.addi %min3A_384, %add3A_386 : vector<16xi32>
    %swap3A_388 = arith.constant 352 : index
    %swap3A_389 = tpu.vector_load %arg5[%swap3A_388] {strides = array<i32>} : memref<512xi32, #tpu.memory_space<vmem>>, vector<16xi32>,
    %swap3A_390 = vector.shape_cast %swap3A_389 : vector<16xi32> to vector<16xi32>
    %swap3A_391 = vector.shape_cast %add3A_387 : vector<16xi32> to vector<16xi32>
    tpu.vector_store %arg5[%swap3A_388], %swap3A_391 {strides = array<i32>} : memref<512xi32, #tpu.memory_space<vmem>>, vector<16xi32>,
    %get3A_392 = arith.constant 368 : index
    %get3A_393 = tpu.vector_load %arg5[%get3A_392] {strides = array<i32>} : memref<512xi32, #tpu.memory_space<vmem>>, vector<16xi32>,
    %get3A_394 = vector.shape_cast %get3A_393 : vector<16xi32> to vector<16xi32>
    %max3A_395 = arith.constant 0 : i32
    %max3A_396 = vector.broadcast %max3A_395 : i32 to vector<16xi32>
    %max3A_397 = arith.maxsi %get3A_394, %max3A_396 : vector<16xi32>
    %min3A_398 = arith.constant 99999 : i32
    %min3A_399 = vector.broadcast %min3A_398 : i32 to vector<16xi32>
    %min3A_400 = arith.minsi %max3A_397, %min3A_399 : vector<16xi32>
    %add3A_401 = arith.constant 1 : i32
    %add3A_402 = vector.broadcast %add3A_401 : i32 to vector<16xi32>
    %add3A_403 = arith.addi %min3A_400, %add3A_402 : vector<16xi32>
    %swap3A_404 = arith.constant 368 : index
    %swap3A_405 = tpu.vector_load %arg5[%swap3A_404] {strides = array<i32>} : memref<512xi32, #tpu.memory_space<vmem>>, vector<16xi32>,
    %swap3A_406 = vector.shape_cast %swap3A_405 : vector<16xi32> to vector<16xi32>
    %swap3A_407 = vector.shape_cast %add3A_403 : vector<16xi32> to vector<16xi32>
    tpu.vector_store %arg5[%swap3A_404], %swap3A_407 {strides = array<i32>} : memref<512xi32, #tpu.memory_space<vmem>>, vector<16xi32>,
    %dma_start3A_408 = arith.constant 0 : i32
    %dma_start3A_409 = arith.constant 256 : i32
    %dma_start3A_410 = arith.constant 0 : i32
    %dma_start3A_411 = tpu.memref_slice %arg6[%dma_start3A_409, %dma_start3A_410] : memref<512x128xf32, #tpu.memory_space<vmem>> -> memref<128x128xf32, #tpu.memory_space<vmem>>
    %dma_start3A_412 = arith.constant 256 : i32
    %dma_start3A_413 = tpu.memref_slice %arg5[%dma_start3A_412] : memref<512xi32, #tpu.memory_space<vmem>> -> memref<128xi32, #tpu.memory_space<vmem>>
    %dma_start3A_414 = arith.constant 0 : i32
    %dma_start3A_415 = arith.constant 0 : i32
    %dma_start3A_416 = tpu.memref_slice %arg3[%dma_start3A_414, %dma_start3A_408, %dma_start3A_415] : memref<100001x1x128xf32, #tpu.memory_space<hbm>> -> memref<100001x1x128xf32, #tpu.memory_space<hbm>>
    %dma_start3A_417 = tpu.memref_squeeze %dma_start3A_416 : memref<100001x1x128xf32, #tpu.memory_space<hbm>> -> memref<100001x128xf32, #tpu.memory_space<hbm>>
    %dma_start3A_418 = arith.constant 0 : i32
    %dma_start3A_419 = arith.constant 0 : i32
    %dma_start3A_420 = tpu.memref_slice %dma_start3A_417[%dma_start3A_418, %dma_start3A_419] : memref<100001x128xf32, #tpu.memory_space<hbm>> -> memref<100001x128xf32, #tpu.memory_space<hbm>>
    tpu.enqueue_indirect_dma source(%dma_start3A_420 : memref<100001x128xf32, #tpu.memory_space<hbm>>) target(%dma_start3A_411 : memref<128x128xf32, #tpu.memory_space<vmem>>) offsets(%dma_start3A_413 : memref<128xi32, #tpu.memory_space<vmem>>) semaphore(%arg10 : memref<!tpu.dma_semaphore, #tpu.memory_space<semaphore_mem>>)
    %get3A_421 = arith.constant 384 : index
    %get3A_422 = tpu.vector_load %arg5[%get3A_421] {strides = array<i32>} : memref<512xi32, #tpu.memory_space<vmem>>, vector<16xi32>,
    %get3A_423 = vector.shape_cast %get3A_422 : vector<16xi32> to vector<16xi32>
    %max3A_424 = arith.constant 0 : i32
    %max3A_425 = vector.broadcast %max3A_424 : i32 to vector<16xi32>
    %max3A_426 = arith.maxsi %get3A_423, %max3A_425 : vector<16xi32>
    %min3A_427 = arith.constant 99999 : i32
    %min3A_428 = vector.broadcast %min3A_427 : i32 to vector<16xi32>
    %min3A_429 = arith.minsi %max3A_426, %min3A_428 : vector<16xi32>
    %add3A_430 = arith.constant 1 : i32
    %add3A_431 = vector.broadcast %add3A_430 : i32 to vector<16xi32>
    %add3A_432 = arith.addi %min3A_429, %add3A_431 : vector<16xi32>
    %swap3A_433 = arith.constant 384 : index
    %swap3A_434 = tpu.vector_load %arg5[%swap3A_433] {strides = array<i32>} : memref<512xi32, #tpu.memory_space<vmem>>, vector<16xi32>,
    %swap3A_435 = vector.shape_cast %swap3A_434 : vector<16xi32> to vector<16xi32>
    %swap3A_436 = vector.shape_cast %add3A_432 : vector<16xi32> to vector<16xi32>
    tpu.vector_store %arg5[%swap3A_433], %swap3A_436 {strides = array<i32>} : memref<512xi32, #tpu.memory_space<vmem>>, vector<16xi32>,
    %get3A_437 = arith.constant 400 : index
    %get3A_438 = tpu.vector_load %arg5[%get3A_437] {strides = array<i32>} : memref<512xi32, #tpu.memory_space<vmem>>, vector<16xi32>,
    %get3A_439 = vector.shape_cast %get3A_438 : vector<16xi32> to vector<16xi32>
    %max3A_440 = arith.constant 0 : i32
    %max3A_441 = vector.broadcast %max3A_440 : i32 to vector<16xi32>
    %max3A_442 = arith.maxsi %get3A_439, %max3A_441 : vector<16xi32>
    %min3A_443 = arith.constant 99999 : i32
    %min3A_444 = vector.broadcast %min3A_443 : i32 to vector<16xi32>
    %min3A_445 = arith.minsi %max3A_442, %min3A_444 : vector<16xi32>
    %add3A_446 = arith.constant 1 : i32
    %add3A_447 = vector.broadcast %add3A_446 : i32 to vector<16xi32>
    %add3A_448 = arith.addi %min3A_445, %add3A_447 : vector<16xi32>
    %swap3A_449 = arith.constant 400 : index
    %swap3A_450 = tpu.vector_load %arg5[%swap3A_449] {strides = array<i32>} : memref<512xi32, #tpu.memory_space<vmem>>, vector<16xi32>,
    %swap3A_451 = vector.shape_cast %swap3A_450 : vector<16xi32> to vector<16xi32>
    %swap3A_452 = vector.shape_cast %add3A_448 : vector<16xi32> to vector<16xi32>
    tpu.vector_store %arg5[%swap3A_449], %swap3A_452 {strides = array<i32>} : memref<512xi32, #tpu.memory_space<vmem>>, vector<16xi32>,
    %get3A_453 = arith.constant 416 : index
    %get3A_454 = tpu.vector_load %arg5[%get3A_453] {strides = array<i32>} : memref<512xi32, #tpu.memory_space<vmem>>, vector<16xi32>,
    %get3A_455 = vector.shape_cast %get3A_454 : vector<16xi32> to vector<16xi32>
    %max3A_456 = arith.constant 0 : i32
    %max3A_457 = vector.broadcast %max3A_456 : i32 to vector<16xi32>
    %max3A_458 = arith.maxsi %get3A_455, %max3A_457 : vector<16xi32>
    %min3A_459 = arith.constant 99999 : i32
    %min3A_460 = vector.broadcast %min3A_459 : i32 to vector<16xi32>
    %min3A_461 = arith.minsi %max3A_458, %min3A_460 : vector<16xi32>
    %add3A_462 = arith.constant 1 : i32
    %add3A_463 = vector.broadcast %add3A_462 : i32 to vector<16xi32>
    %add3A_464 = arith.addi %min3A_461, %add3A_463 : vector<16xi32>
    %swap3A_465 = arith.constant 416 : index
    %swap3A_466 = tpu.vector_load %arg5[%swap3A_465] {strides = array<i32>} : memref<512xi32, #tpu.memory_space<vmem>>, vector<16xi32>,
    %swap3A_467 = vector.shape_cast %swap3A_466 : vector<16xi32> to vector<16xi32>
    %swap3A_468 = vector.shape_cast %add3A_464 : vector<16xi32> to vector<16xi32>
    tpu.vector_store %arg5[%swap3A_465], %swap3A_468 {strides = array<i32>} : memref<512xi32, #tpu.memory_space<vmem>>, vector<16xi32>,
    %get3A_469 = arith.constant 432 : index
    %get3A_470 = tpu.vector_load %arg5[%get3A_469] {strides = array<i32>} : memref<512xi32, #tpu.memory_space<vmem>>, vector<16xi32>,
    %get3A_471 = vector.shape_cast %get3A_470 : vector<16xi32> to vector<16xi32>
    %max3A_472 = arith.constant 0 : i32
    %max3A_473 = vector.broadcast %max3A_472 : i32 to vector<16xi32>
    %max3A_474 = arith.maxsi %get3A_471, %max3A_473 : vector<16xi32>
    %min3A_475 = arith.constant 99999 : i32
    %min3A_476 = vector.broadcast %min3A_475 : i32 to vector<16xi32>
    %min3A_477 = arith.minsi %max3A_474, %min3A_476 : vector<16xi32>
    %add3A_478 = arith.constant 1 : i32
    %add3A_479 = vector.broadcast %add3A_478 : i32 to vector<16xi32>
    %add3A_480 = arith.addi %min3A_477, %add3A_479 : vector<16xi32>
    %swap3A_481 = arith.constant 432 : index
    %swap3A_482 = tpu.vector_load %arg5[%swap3A_481] {strides = array<i32>} : memref<512xi32, #tpu.memory_space<vmem>>, vector<16xi32>,
    %swap3A_483 = vector.shape_cast %swap3A_482 : vector<16xi32> to vector<16xi32>
    %swap3A_484 = vector.shape_cast %add3A_480 : vector<16xi32> to vector<16xi32>
    tpu.vector_store %arg5[%swap3A_481], %swap3A_484 {strides = array<i32>} : memref<512xi32, #tpu.memory_space<vmem>>, vector<16xi32>,
    %get3A_485 = arith.constant 448 : index
    %get3A_486 = tpu.vector_load %arg5[%get3A_485] {strides = array<i32>} : memref<512xi32, #tpu.memory_space<vmem>>, vector<16xi32>,
    %get3A_487 = vector.shape_cast %get3A_486 : vector<16xi32> to vector<16xi32>
    %max3A_488 = arith.constant 0 : i32
    %max3A_489 = vector.broadcast %max3A_488 : i32 to vector<16xi32>
    %max3A_490 = arith.maxsi %get3A_487, %max3A_489 : vector<16xi32>
    %min3A_491 = arith.constant 99999 : i32
    %min3A_492 = vector.broadcast %min3A_491 : i32 to vector<16xi32>
    %min3A_493 = arith.minsi %max3A_490, %min3A_492 : vector<16xi32>
    %add3A_494 = arith.constant 1 : i32
    %add3A_495 = vector.broadcast %add3A_494 : i32 to vector<16xi32>
    %add3A_496 = arith.addi %min3A_493, %add3A_495 : vector<16xi32>
    %swap3A_497 = arith.constant 448 : index
    %swap3A_498 = tpu.vector_load %arg5[%swap3A_497] {strides = array<i32>} : memref<512xi32, #tpu.memory_space<vmem>>, vector<16xi32>,
    %swap3A_499 = vector.shape_cast %swap3A_498 : vector<16xi32> to vector<16xi32>
    %swap3A_500 = vector.shape_cast %add3A_496 : vector<16xi32> to vector<16xi32>
    tpu.vector_store %arg5[%swap3A_497], %swap3A_500 {strides = array<i32>} : memref<512xi32, #tpu.memory_space<vmem>>, vector<16xi32>,
    %get3A_501 = arith.constant 464 : index
    %get3A_502 = tpu.vector_load %arg5[%get3A_501] {strides = array<i32>} : memref<512xi32, #tpu.memory_space<vmem>>, vector<16xi32>,
    %get3A_503 = vector.shape_cast %get3A_502 : vector<16xi32> to vector<16xi32>
    %max3A_504 = arith.constant 0 : i32
    %max3A_505 = vector.broadcast %max3A_504 : i32 to vector<16xi32>
    %max3A_506 = arith.maxsi %get3A_503, %max3A_505 : vector<16xi32>
    %min3A_507 = arith.constant 99999 : i32
    %min3A_508 = vector.broadcast %min3A_507 : i32 to vector<16xi32>
    %min3A_509 = arith.minsi %max3A_506, %min3A_508 : vector<16xi32>
    %add3A_510 = arith.constant 1 : i32
    %add3A_511 = vector.broadcast %add3A_510 : i32 to vector<16xi32>
    %add3A_512 = arith.addi %min3A_509, %add3A_511 : vector<16xi32>
    %swap3A_513 = arith.constant 464 : index
    %swap3A_514 = tpu.vector_load %arg5[%swap3A_513] {strides = array<i32>} : memref<512xi32, #tpu.memory_space<vmem>>, vector<16xi32>,
    %swap3A_515 = vector.shape_cast %swap3A_514 : vector<16xi32> to vector<16xi32>
    %swap3A_516 = vector.shape_cast %add3A_512 : vector<16xi32> to vector<16xi32>
    tpu.vector_store %arg5[%swap3A_513], %swap3A_516 {strides = array<i32>} : memref<512xi32, #tpu.memory_space<vmem>>, vector<16xi32>,
    %get3A_517 = arith.constant 480 : index
    %get3A_518 = tpu.vector_load %arg5[%get3A_517] {strides = array<i32>} : memref<512xi32, #tpu.memory_space<vmem>>, vector<16xi32>,
    %get3A_519 = vector.shape_cast %get3A_518 : vector<16xi32> to vector<16xi32>
    %max3A_520 = arith.constant 0 : i32
    %max3A_521 = vector.broadcast %max3A_520 : i32 to vector<16xi32>
    %max3A_522 = arith.maxsi %get3A_519, %max3A_521 : vector<16xi32>
    %min3A_523 = arith.constant 99999 : i32
    %min3A_524 = vector.broadcast %min3A_523 : i32 to vector<16xi32>
    %min3A_525 = arith.minsi %max3A_522, %min3A_524 : vector<16xi32>
    %add3A_526 = arith.constant 1 : i32
    %add3A_527 = vector.broadcast %add3A_526 : i32 to vector<16xi32>
    %add3A_528 = arith.addi %min3A_525, %add3A_527 : vector<16xi32>
    %swap3A_529 = arith.constant 480 : index
    %swap3A_530 = tpu.vector_load %arg5[%swap3A_529] {strides = array<i32>} : memref<512xi32, #tpu.memory_space<vmem>>, vector<16xi32>,
    %swap3A_531 = vector.shape_cast %swap3A_530 : vector<16xi32> to vector<16xi32>
    %swap3A_532 = vector.shape_cast %add3A_528 : vector<16xi32> to vector<16xi32>
    tpu.vector_store %arg5[%swap3A_529], %swap3A_532 {strides = array<i32>} : memref<512xi32, #tpu.memory_space<vmem>>, vector<16xi32>,
    %get3A_533 = arith.constant 496 : index
    %get3A_534 = tpu.vector_load %arg5[%get3A_533] {strides = array<i32>} : memref<512xi32, #tpu.memory_space<vmem>>, vector<16xi32>,
    %get3A_535 = vector.shape_cast %get3A_534 : vector<16xi32> to vector<16xi32>
    %max3A_536 = arith.constant 0 : i32
    %max3A_537 = vector.broadcast %max3A_536 : i32 to vector<16xi32>
    %max3A_538 = arith.maxsi %get3A_535, %max3A_537 : vector<16xi32>
    %min3A_539 = arith.constant 99999 : i32
    %min3A_540 = vector.broadcast %min3A_539 : i32 to vector<16xi32>
    %min3A_541 = arith.minsi %max3A_538, %min3A_540 : vector<16xi32>
    %add3A_542 = arith.constant 1 : i32
    %add3A_543 = vector.broadcast %add3A_542 : i32 to vector<16xi32>
    %add3A_544 = arith.addi %min3A_541, %add3A_543 : vector<16xi32>
    %swap3A_545 = arith.constant 496 : index
    %swap3A_546 = tpu.vector_load %arg5[%swap3A_545] {strides = array<i32>} : memref<512xi32, #tpu.memory_space<vmem>>, vector<16xi32>,
    %swap3A_547 = vector.shape_cast %swap3A_546 : vector<16xi32> to vector<16xi32>
    %swap3A_548 = vector.shape_cast %add3A_544 : vector<16xi32> to vector<16xi32>
    tpu.vector_store %arg5[%swap3A_545], %swap3A_548 {strides = array<i32>} : memref<512xi32, #tpu.memory_space<vmem>>, vector<16xi32>,
    %dma_start3A_549 = arith.constant 0 : i32
    %dma_start3A_550 = arith.constant 384 : i32
    %dma_start3A_551 = arith.constant 0 : i32
    %dma_start3A_552 = tpu.memref_slice %arg6[%dma_start3A_550, %dma_start3A_551] : memref<512x128xf32, #tpu.memory_space<vmem>> -> memref<128x128xf32, #tpu.memory_space<vmem>>
    %dma_start3A_553 = arith.constant 384 : i32
    %dma_start3A_554 = tpu.memref_slice %arg5[%dma_start3A_553] : memref<512xi32, #tpu.memory_space<vmem>> -> memref<128xi32, #tpu.memory_space<vmem>>
    %dma_start3A_555 = arith.constant 0 : i32
    %dma_start3A_556 = arith.constant 0 : i32
    %dma_start3A_557 = tpu.memref_slice %arg3[%dma_start3A_555, %dma_start3A_549, %dma_start3A_556] : memref<100001x1x128xf32, #tpu.memory_space<hbm>> -> memref<100001x1x128xf32, #tpu.memory_space<hbm>>
    %dma_start3A_558 = tpu.memref_squeeze %dma_start3A_557 : memref<100001x1x128xf32, #tpu.memory_space<hbm>> -> memref<100001x128xf32, #tpu.memory_space<hbm>>
    %dma_start3A_559 = arith.constant 0 : i32
    %dma_start3A_560 = arith.constant 0 : i32
    %dma_start3A_561 = tpu.memref_slice %dma_start3A_558[%dma_start3A_559, %dma_start3A_560] : memref<100001x128xf32, #tpu.memory_space<hbm>> -> memref<100001x128xf32, #tpu.memory_space<hbm>>
    tpu.enqueue_indirect_dma source(%dma_start3A_561 : memref<100001x128xf32, #tpu.memory_space<hbm>>) target(%dma_start3A_552 : memref<128x128xf32, #tpu.memory_space<vmem>>) offsets(%dma_start3A_554 : memref<128xi32, #tpu.memory_space<vmem>>) semaphore(%arg11 : memref<!tpu.dma_semaphore, #tpu.memory_space<semaphore_mem>>)
    %dma_wait3A = arith.constant 0 : i32
    %dma_wait3A_562 = arith.constant 0 : i32
    %dma_wait3A_563 = arith.constant 0 : i32
    %dma_wait3A_564 = tpu.memref_slice %arg6[%dma_wait3A_562, %dma_wait3A_563] : memref<512x128xf32, #tpu.memory_space<vmem>> -> memref<128x128xf32, #tpu.memory_space<vmem>>
    %dma_wait3A_565 = arith.constant 0 : i32
    %dma_wait3A_566 = tpu.memref_slice %arg5[%dma_wait3A_565] : memref<512xi32, #tpu.memory_space<vmem>> -> memref<128xi32, #tpu.memory_space<vmem>>
    %dma_wait3A_567 = arith.constant 0 : i32
    %dma_wait3A_568 = arith.constant 0 : i32
    %dma_wait3A_569 = tpu.memref_slice %arg3[%dma_wait3A_567, %dma_wait3A, %dma_wait3A_568] : memref<100001x1x128xf32, #tpu.memory_space<hbm>> -> memref<100001x1x128xf32, #tpu.memory_space<hbm>>
    %dma_wait3A_570 = tpu.memref_squeeze %dma_wait3A_569 : memref<100001x1x128xf32, #tpu.memory_space<hbm>> -> memref<100001x128xf32, #tpu.memory_space<hbm>>
    %dma_wait3A_571 = arith.constant 0 : i32
    %dma_wait3A_572 = arith.constant 0 : i32
    %dma_wait3A_573 = tpu.memref_slice %dma_wait3A_570[%dma_wait3A_571, %dma_wait3A_572] : memref<100001x128xf32, #tpu.memory_space<hbm>> -> memref<100001x128xf32, #tpu.memory_space<hbm>>
    tpu.wait_indirect_dma semaphore(%arg8 : memref<!tpu.dma_semaphore, #tpu.memory_space<semaphore_mem>>) src(%dma_wait3A_573 : memref<100001x128xf32, #tpu.memory_space<hbm>>) dst(%dma_wait3A_564 : memref<128x128xf32, #tpu.memory_space<vmem>>)
    %add3A_574 = arith.constant 0 : i32
    %add3A_575 = arith.addi %mul3A_2, %add3A_574 : i32
    %dma_start3A_576 = arith.constant 0 : i32
    %dma_start3A_577 = arith.constant 0 : i32
    %dma_start3A_578 = arith.constant 0 : i32
    %dma_start3A_579 = tpu.memref_slice %arg6[%dma_start3A_577, %dma_start3A_578] : memref<512x128xf32, #tpu.memory_space<vmem>> -> memref<128x128xf32, #tpu.memory_space<vmem>>
    %dma_start3A_580 = arith.constant 0 : i32
    %dma_start3A_581 = arith.constant 0 : i32
    %dma_start3A_582 = tpu.memref_slice %arg4[%dma_start3A_576, %dma_start3A_580, %dma_start3A_581] : memref<1x16384x128xf32, #tpu.memory_space<hbm>> -> memref<1x16384x128xf32, #tpu.memory_space<hbm>>
    %dma_start3A_583 = tpu.memref_squeeze %dma_start3A_582 : memref<1x16384x128xf32, #tpu.memory_space<hbm>> -> memref<16384x128xf32, #tpu.memory_space<hbm>>
    %dma_start3A_584 = arith.constant 0 : i32
    %dma_start3A_585 = tpu.memref_slice %dma_start3A_583[%add3A_575, %dma_start3A_584] : memref<16384x128xf32, #tpu.memory_space<hbm>> -> memref<128x128xf32, #tpu.memory_space<hbm>>
    %dma_start3A_586 = arith.constant 0 : i32
    %dma_start3A_587 = arith.constant 0 : i32
    %dma_start3A_588 = tpu.memref_slice %arg4[%dma_start3A_576, %dma_start3A_586, %dma_start3A_587] : memref<1x16384x128xf32, #tpu.memory_space<hbm>> -> memref<1x16384x128xf32, #tpu.memory_space<hbm>>
    %dma_start3A_589 = tpu.memref_squeeze %dma_start3A_588 : memref<1x16384x128xf32, #tpu.memory_space<hbm>> -> memref<16384x128xf32, #tpu.memory_space<hbm>>
    %dma_start3A_590 = arith.constant 0 : i32
    %dma_start3A_591 = tpu.memref_slice %dma_start3A_589[%add3A_575, %dma_start3A_590] : memref<16384x128xf32, #tpu.memory_space<hbm>> -> memref<128x128xf32, #tpu.memory_space<hbm>>
    %dma_start3A_592 = arith.constant 0 : i32
    %dma_start3A_593 = arith.constant 0 : i32
    %dma_start3A_594 = tpu.memref_slice %arg6[%dma_start3A_592, %dma_start3A_593] : memref<512x128xf32, #tpu.memory_space<vmem>> -> memref<128x128xf32, #tpu.memory_space<vmem>>
    tpu.enqueue_dma source(%dma_start3A_594 : memref<128x128xf32, #tpu.memory_space<vmem>>) target(%dma_start3A_591 : memref<128x128xf32, #tpu.memory_space<hbm>>) target_semaphore(%arg7 : memref<!tpu.dma_semaphore, #tpu.memory_space<semaphore_mem>>)
    %dma_wait3A_595 = arith.constant 0 : i32
    %dma_wait3A_596 = arith.constant 128 : i32
    %dma_wait3A_597 = arith.constant 0 : i32
    %dma_wait3A_598 = tpu.memref_slice %arg6[%dma_wait3A_596, %dma_wait3A_597] : memref<512x128xf32, #tpu.memory_space<vmem>> -> memref<128x128xf32, #tpu.memory_space<vmem>>
    %dma_wait3A_599 = arith.constant 128 : i32
    %dma_wait3A_600 = tpu.memref_slice %arg5[%dma_wait3A_599] : memref<512xi32, #tpu.memory_space<vmem>> -> memref<128xi32, #tpu.memory_space<vmem>>
    %dma_wait3A_601 = arith.constant 0 : i32
    %dma_wait3A_602 = arith.constant 0 : i32
    %dma_wait3A_603 = tpu.memref_slice %arg3[%dma_wait3A_601, %dma_wait3A_595, %dma_wait3A_602] : memref<100001x1x128xf32, #tpu.memory_space<hbm>> -> memref<100001x1x128xf32, #tpu.memory_space<hbm>>
    %dma_wait3A_604 = tpu.memref_squeeze %dma_wait3A_603 : memref<100001x1x128xf32, #tpu.memory_space<hbm>> -> memref<100001x128xf32, #tpu.memory_space<hbm>>
    %dma_wait3A_605 = arith.constant 0 : i32
    %dma_wait3A_606 = arith.constant 0 : i32
    %dma_wait3A_607 = tpu.memref_slice %dma_wait3A_604[%dma_wait3A_605, %dma_wait3A_606] : memref<100001x128xf32, #tpu.memory_space<hbm>> -> memref<100001x128xf32, #tpu.memory_space<hbm>>
    tpu.wait_indirect_dma semaphore(%arg9 : memref<!tpu.dma_semaphore, #tpu.memory_space<semaphore_mem>>) src(%dma_wait3A_607 : memref<100001x128xf32, #tpu.memory_space<hbm>>) dst(%dma_wait3A_598 : memref<128x128xf32, #tpu.memory_space<vmem>>)
    %add3A_608 = arith.constant 128 : i32
    %add3A_609 = arith.addi %mul3A_2, %add3A_608 : i32
    %dma_start3A_610 = arith.constant 0 : i32
    %dma_start3A_611 = arith.constant 128 : i32
    %dma_start3A_612 = arith.constant 0 : i32
    %dma_start3A_613 = tpu.memref_slice %arg6[%dma_start3A_611, %dma_start3A_612] : memref<512x128xf32, #tpu.memory_space<vmem>> -> memref<128x128xf32, #tpu.memory_space<vmem>>
    %dma_start3A_614 = arith.constant 0 : i32
    %dma_start3A_615 = arith.constant 0 : i32
    %dma_start3A_616 = tpu.memref_slice %arg4[%dma_start3A_610, %dma_start3A_614, %dma_start3A_615] : memref<1x16384x128xf32, #tpu.memory_space<hbm>> -> memref<1x16384x128xf32, #tpu.memory_space<hbm>>
    %dma_start3A_617 = tpu.memref_squeeze %dma_start3A_616 : memref<1x16384x128xf32, #tpu.memory_space<hbm>> -> memref<16384x128xf32, #tpu.memory_space<hbm>>
    %dma_start3A_618 = arith.constant 0 : i32
    %dma_start3A_619 = tpu.memref_slice %dma_start3A_617[%add3A_609, %dma_start3A_618] : memref<16384x128xf32, #tpu.memory_space<hbm>> -> memref<128x128xf32, #tpu.memory_space<hbm>>
    %dma_start3A_620 = arith.constant 0 : i32
    %dma_start3A_621 = arith.constant 0 : i32
    %dma_start3A_622 = tpu.memref_slice %arg4[%dma_start3A_610, %dma_start3A_620, %dma_start3A_621] : memref<1x16384x128xf32, #tpu.memory_space<hbm>> -> memref<1x16384x128xf32, #tpu.memory_space<hbm>>
    %dma_start3A_623 = tpu.memref_squeeze %dma_start3A_622 : memref<1x16384x128xf32, #tpu.memory_space<hbm>> -> memref<16384x128xf32, #tpu.memory_space<hbm>>
    %dma_start3A_624 = arith.constant 0 : i32
    %dma_start3A_625 = tpu.memref_slice %dma_start3A_623[%add3A_609, %dma_start3A_624] : memref<16384x128xf32, #tpu.memory_space<hbm>> -> memref<128x128xf32, #tpu.memory_space<hbm>>
    %dma_start3A_626 = arith.constant 128 : i32
    %dma_start3A_627 = arith.constant 0 : i32
    %dma_start3A_628 = tpu.memref_slice %arg6[%dma_start3A_626, %dma_start3A_627] : memref<512x128xf32, #tpu.memory_space<vmem>> -> memref<128x128xf32, #tpu.memory_space<vmem>>
    tpu.enqueue_dma source(%dma_start3A_628 : memref<128x128xf32, #tpu.memory_space<vmem>>) target(%dma_start3A_625 : memref<128x128xf32, #tpu.memory_space<hbm>>) target_semaphore(%arg7 : memref<!tpu.dma_semaphore, #tpu.memory_space<semaphore_mem>>)
    %dma_wait3A_629 = arith.constant 0 : i32
    %dma_wait3A_630 = arith.constant 256 : i32
    %dma_wait3A_631 = arith.constant 0 : i32
    %dma_wait3A_632 = tpu.memref_slice %arg6[%dma_wait3A_630, %dma_wait3A_631] : memref<512x128xf32, #tpu.memory_space<vmem>> -> memref<128x128xf32, #tpu.memory_space<vmem>>
    %dma_wait3A_633 = arith.constant 256 : i32
    %dma_wait3A_634 = tpu.memref_slice %arg5[%dma_wait3A_633] : memref<512xi32, #tpu.memory_space<vmem>> -> memref<128xi32, #tpu.memory_space<vmem>>
    %dma_wait3A_635 = arith.constant 0 : i32
    %dma_wait3A_636 = arith.constant 0 : i32
    %dma_wait3A_637 = tpu.memref_slice %arg3[%dma_wait3A_635, %dma_wait3A_629, %dma_wait3A_636] : memref<100001x1x128xf32, #tpu.memory_space<hbm>> -> memref<100001x1x128xf32, #tpu.memory_space<hbm>>
    %dma_wait3A_638 = tpu.memref_squeeze %dma_wait3A_637 : memref<100001x1x128xf32, #tpu.memory_space<hbm>> -> memref<100001x128xf32, #tpu.memory_space<hbm>>
    %dma_wait3A_639 = arith.constant 0 : i32
    %dma_wait3A_640 = arith.constant 0 : i32
    %dma_wait3A_641 = tpu.memref_slice %dma_wait3A_638[%dma_wait3A_639, %dma_wait3A_640] : memref<100001x128xf32, #tpu.memory_space<hbm>> -> memref<100001x128xf32, #tpu.memory_space<hbm>>
    tpu.wait_indirect_dma semaphore(%arg10 : memref<!tpu.dma_semaphore, #tpu.memory_space<semaphore_mem>>) src(%dma_wait3A_641 : memref<100001x128xf32, #tpu.memory_space<hbm>>) dst(%dma_wait3A_632 : memref<128x128xf32, #tpu.memory_space<vmem>>)
    %add3A_642 = arith.constant 256 : i32
    %add3A_643 = arith.addi %mul3A_2, %add3A_642 : i32
    %dma_start3A_644 = arith.constant 0 : i32
    %dma_start3A_645 = arith.constant 256 : i32
    %dma_start3A_646 = arith.constant 0 : i32
    %dma_start3A_647 = tpu.memref_slice %arg6[%dma_start3A_645, %dma_start3A_646] : memref<512x128xf32, #tpu.memory_space<vmem>> -> memref<128x128xf32, #tpu.memory_space<vmem>>
    %dma_start3A_648 = arith.constant 0 : i32
    %dma_start3A_649 = arith.constant 0 : i32
    %dma_start3A_650 = tpu.memref_slice %arg4[%dma_start3A_644, %dma_start3A_648, %dma_start3A_649] : memref<1x16384x128xf32, #tpu.memory_space<hbm>> -> memref<1x16384x128xf32, #tpu.memory_space<hbm>>
    %dma_start3A_651 = tpu.memref_squeeze %dma_start3A_650 : memref<1x16384x128xf32, #tpu.memory_space<hbm>> -> memref<16384x128xf32, #tpu.memory_space<hbm>>
    %dma_start3A_652 = arith.constant 0 : i32
    %dma_start3A_653 = tpu.memref_slice %dma_start3A_651[%add3A_643, %dma_start3A_652] : memref<16384x128xf32, #tpu.memory_space<hbm>> -> memref<128x128xf32, #tpu.memory_space<hbm>>
    %dma_start3A_654 = arith.constant 0 : i32
    %dma_start3A_655 = arith.constant 0 : i32
    %dma_start3A_656 = tpu.memref_slice %arg4[%dma_start3A_644, %dma_start3A_654, %dma_start3A_655] : memref<1x16384x128xf32, #tpu.memory_space<hbm>> -> memref<1x16384x128xf32, #tpu.memory_space<hbm>>
    %dma_start3A_657 = tpu.memref_squeeze %dma_start3A_656 : memref<1x16384x128xf32, #tpu.memory_space<hbm>> -> memref<16384x128xf32, #tpu.memory_space<hbm>>
    %dma_start3A_658 = arith.constant 0 : i32
    %dma_start3A_659 = tpu.memref_slice %dma_start3A_657[%add3A_643, %dma_start3A_658] : memref<16384x128xf32, #tpu.memory_space<hbm>> -> memref<128x128xf32, #tpu.memory_space<hbm>>
    %dma_start3A_660 = arith.constant 256 : i32
    %dma_start3A_661 = arith.constant 0 : i32
    %dma_start3A_662 = tpu.memref_slice %arg6[%dma_start3A_660, %dma_start3A_661] : memref<512x128xf32, #tpu.memory_space<vmem>> -> memref<128x128xf32, #tpu.memory_space<vmem>>
    tpu.enqueue_dma source(%dma_start3A_662 : memref<128x128xf32, #tpu.memory_space<vmem>>) target(%dma_start3A_659 : memref<128x128xf32, #tpu.memory_space<hbm>>) target_semaphore(%arg7 : memref<!tpu.dma_semaphore, #tpu.memory_space<semaphore_mem>>)
    %dma_wait3A_663 = arith.constant 0 : i32
    %dma_wait3A_664 = arith.constant 384 : i32
    %dma_wait3A_665 = arith.constant 0 : i32
    %dma_wait3A_666 = tpu.memref_slice %arg6[%dma_wait3A_664, %dma_wait3A_665] : memref<512x128xf32, #tpu.memory_space<vmem>> -> memref<128x128xf32, #tpu.memory_space<vmem>>
    %dma_wait3A_667 = arith.constant 384 : i32
    %dma_wait3A_668 = tpu.memref_slice %arg5[%dma_wait3A_667] : memref<512xi32, #tpu.memory_space<vmem>> -> memref<128xi32, #tpu.memory_space<vmem>>
    %dma_wait3A_669 = arith.constant 0 : i32
    %dma_wait3A_670 = arith.constant 0 : i32
    %dma_wait3A_671 = tpu.memref_slice %arg3[%dma_wait3A_669, %dma_wait3A_663, %dma_wait3A_670] : memref<100001x1x128xf32, #tpu.memory_space<hbm>> -> memref<100001x1x128xf32, #tpu.memory_space<hbm>>
    %dma_wait3A_672 = tpu.memref_squeeze %dma_wait3A_671 : memref<100001x1x128xf32, #tpu.memory_space<hbm>> -> memref<100001x128xf32, #tpu.memory_space<hbm>>
    %dma_wait3A_673 = arith.constant 0 : i32
    %dma_wait3A_674 = arith.constant 0 : i32
    %dma_wait3A_675 = tpu.memref_slice %dma_wait3A_672[%dma_wait3A_673, %dma_wait3A_674] : memref<100001x128xf32, #tpu.memory_space<hbm>> -> memref<100001x128xf32, #tpu.memory_space<hbm>>
    tpu.wait_indirect_dma semaphore(%arg11 : memref<!tpu.dma_semaphore, #tpu.memory_space<semaphore_mem>>) src(%dma_wait3A_675 : memref<100001x128xf32, #tpu.memory_space<hbm>>) dst(%dma_wait3A_666 : memref<128x128xf32, #tpu.memory_space<vmem>>)
    %add3A_676 = arith.constant 384 : i32
    %add3A_677 = arith.addi %mul3A_2, %add3A_676 : i32
    %dma_start3A_678 = arith.constant 0 : i32
    %dma_start3A_679 = arith.constant 384 : i32
    %dma_start3A_680 = arith.constant 0 : i32
    %dma_start3A_681 = tpu.memref_slice %arg6[%dma_start3A_679, %dma_start3A_680] : memref<512x128xf32, #tpu.memory_space<vmem>> -> memref<128x128xf32, #tpu.memory_space<vmem>>
    %dma_start3A_682 = arith.constant 0 : i32
    %dma_start3A_683 = arith.constant 0 : i32
    %dma_start3A_684 = tpu.memref_slice %arg4[%dma_start3A_678, %dma_start3A_682, %dma_start3A_683] : memref<1x16384x128xf32, #tpu.memory_space<hbm>> -> memref<1x16384x128xf32, #tpu.memory_space<hbm>>
    %dma_start3A_685 = tpu.memref_squeeze %dma_start3A_684 : memref<1x16384x128xf32, #tpu.memory_space<hbm>> -> memref<16384x128xf32, #tpu.memory_space<hbm>>
    %dma_start3A_686 = arith.constant 0 : i32
    %dma_start3A_687 = tpu.memref_slice %dma_start3A_685[%add3A_677, %dma_start3A_686] : memref<16384x128xf32, #tpu.memory_space<hbm>> -> memref<128x128xf32, #tpu.memory_space<hbm>>
    %dma_start3A_688 = arith.constant 0 : i32
    %dma_start3A_689 = arith.constant 0 : i32
    %dma_start3A_690 = tpu.memref_slice %arg4[%dma_start3A_678, %dma_start3A_688, %dma_start3A_689] : memref<1x16384x128xf32, #tpu.memory_space<hbm>> -> memref<1x16384x128xf32, #tpu.memory_space<hbm>>
    %dma_start3A_691 = tpu.memref_squeeze %dma_start3A_690 : memref<1x16384x128xf32, #tpu.memory_space<hbm>> -> memref<16384x128xf32, #tpu.memory_space<hbm>>
    %dma_start3A_692 = arith.constant 0 : i32
    %dma_start3A_693 = tpu.memref_slice %dma_start3A_691[%add3A_677, %dma_start3A_692] : memref<16384x128xf32, #tpu.memory_space<hbm>> -> memref<128x128xf32, #tpu.memory_space<hbm>>
    %dma_start3A_694 = arith.constant 384 : i32
    %dma_start3A_695 = arith.constant 0 : i32
    %dma_start3A_696 = tpu.memref_slice %arg6[%dma_start3A_694, %dma_start3A_695] : memref<512x128xf32, #tpu.memory_space<vmem>> -> memref<128x128xf32, #tpu.memory_space<vmem>>
    tpu.enqueue_dma source(%dma_start3A_696 : memref<128x128xf32, #tpu.memory_space<vmem>>) target(%dma_start3A_693 : memref<128x128xf32, #tpu.memory_space<hbm>>) target_semaphore(%arg7 : memref<!tpu.dma_semaphore, #tpu.memory_space<semaphore_mem>>)
    %dma_wait3A_697 = arith.constant 0 : i32
    %dma_wait3A_698 = arith.constant 0 : i32
    %dma_wait3A_699 = arith.constant 0 : i32
    %dma_wait3A_700 = tpu.memref_slice %arg6[%dma_wait3A_698, %dma_wait3A_699] : memref<512x128xf32, #tpu.memory_space<vmem>> -> memref<128x128xf32, #tpu.memory_space<vmem>>
    %dma_wait3A_701 = arith.constant 0 : i32
    %dma_wait3A_702 = arith.constant 0 : i32
    %dma_wait3A_703 = tpu.memref_slice %arg4[%dma_wait3A_697, %dma_wait3A_701, %dma_wait3A_702] : memref<1x16384x128xf32, #tpu.memory_space<hbm>> -> memref<1x16384x128xf32, #tpu.memory_space<hbm>>
    %dma_wait3A_704 = tpu.memref_squeeze %dma_wait3A_703 : memref<1x16384x128xf32, #tpu.memory_space<hbm>> -> memref<16384x128xf32, #tpu.memory_space<hbm>>
    %dma_wait3A_705 = arith.constant 0 : i32
    %dma_wait3A_706 = tpu.memref_slice %dma_wait3A_704[%add3A_575, %dma_wait3A_705] : memref<16384x128xf32, #tpu.memory_space<hbm>> -> memref<128x128xf32, #tpu.memory_space<hbm>>
    %dma_wait3A_707 = arith.constant 0 : i32
    %dma_wait3A_708 = arith.constant 0 : i32
    %dma_wait3A_709 = tpu.memref_slice %arg4[%dma_wait3A_697, %dma_wait3A_707, %dma_wait3A_708] : memref<1x16384x128xf32, #tpu.memory_space<hbm>> -> memref<1x16384x128xf32, #tpu.memory_space<hbm>>
    %dma_wait3A_710 = tpu.memref_squeeze %dma_wait3A_709 : memref<1x16384x128xf32, #tpu.memory_space<hbm>> -> memref<16384x128xf32, #tpu.memory_space<hbm>>
    %dma_wait3A_711 = arith.constant 0 : i32
    %dma_wait3A_712 = tpu.memref_slice %dma_wait3A_710[%add3A_575, %dma_wait3A_711] : memref<16384x128xf32, #tpu.memory_space<hbm>> -> memref<128x128xf32, #tpu.memory_space<hbm>>
    %dma_wait3A_713 = arith.constant 0 : i32
    %dma_wait3A_714 = arith.constant 0 : i32
    %dma_wait3A_715 = tpu.memref_slice %arg6[%dma_wait3A_713, %dma_wait3A_714] : memref<512x128xf32, #tpu.memory_space<vmem>> -> memref<128x128xf32, #tpu.memory_space<vmem>>
    tpu.wait_dma2 semaphore(%arg7 : memref<!tpu.dma_semaphore, #tpu.memory_space<semaphore_mem>>) src(%dma_wait3A_715 : memref<128x128xf32, #tpu.memory_space<vmem>>) dst(%dma_wait3A_712 : memref<128x128xf32, #tpu.memory_space<hbm>>)
    %dma_wait3A_716 = arith.constant 0 : i32
    %dma_wait3A_717 = arith.constant 128 : i32
    %dma_wait3A_718 = arith.constant 0 : i32
    %dma_wait3A_719 = tpu.memref_slice %arg6[%dma_wait3A_717, %dma_wait3A_718] : memref<512x128xf32, #tpu.memory_space<vmem>> -> memref<128x128xf32, #tpu.memory_space<vmem>>
    %dma_wait3A_720 = arith.constant 0 : i32
    %dma_wait3A_721 = arith.constant 0 : i32
    %dma_wait3A_722 = tpu.memref_slice %arg4[%dma_wait3A_716, %dma_wait3A_720, %dma_wait3A_721] : memref<1x16384x128xf32, #tpu.memory_space<hbm>> -> memref<1x16384x128xf32, #tpu.memory_space<hbm>>
    %dma_wait3A_723 = tpu.memref_squeeze %dma_wait3A_722 : memref<1x16384x128xf32, #tpu.memory_space<hbm>> -> memref<16384x128xf32, #tpu.memory_space<hbm>>
    %dma_wait3A_724 = arith.constant 0 : i32
    %dma_wait3A_725 = tpu.memref_slice %dma_wait3A_723[%add3A_609, %dma_wait3A_724] : memref<16384x128xf32, #tpu.memory_space<hbm>> -> memref<128x128xf32, #tpu.memory_space<hbm>>
    %dma_wait3A_726 = arith.constant 0 : i32
    %dma_wait3A_727 = arith.constant 0 : i32
    %dma_wait3A_728 = tpu.memref_slice %arg4[%dma_wait3A_716, %dma_wait3A_726, %dma_wait3A_727] : memref<1x16384x128xf32, #tpu.memory_space<hbm>> -> memref<1x16384x128xf32, #tpu.memory_space<hbm>>
    %dma_wait3A_729 = tpu.memref_squeeze %dma_wait3A_728 : memref<1x16384x128xf32, #tpu.memory_space<hbm>> -> memref<16384x128xf32, #tpu.memory_space<hbm>>
    %dma_wait3A_730 = arith.constant 0 : i32
    %dma_wait3A_731 = tpu.memref_slice %dma_wait3A_729[%add3A_609, %dma_wait3A_730] : memref<16384x128xf32, #tpu.memory_space<hbm>> -> memref<128x128xf32, #tpu.memory_space<hbm>>
    %dma_wait3A_732 = arith.constant 128 : i32
    %dma_wait3A_733 = arith.constant 0 : i32
    %dma_wait3A_734 = tpu.memref_slice %arg6[%dma_wait3A_732, %dma_wait3A_733] : memref<512x128xf32, #tpu.memory_space<vmem>> -> memref<128x128xf32, #tpu.memory_space<vmem>>
    tpu.wait_dma2 semaphore(%arg7 : memref<!tpu.dma_semaphore, #tpu.memory_space<semaphore_mem>>) src(%dma_wait3A_734 : memref<128x128xf32, #tpu.memory_space<vmem>>) dst(%dma_wait3A_731 : memref<128x128xf32, #tpu.memory_space<hbm>>)
    %dma_wait3A_735 = arith.constant 0 : i32
    %dma_wait3A_736 = arith.constant 256 : i32
    %dma_wait3A_737 = arith.constant 0 : i32
    %dma_wait3A_738 = tpu.memref_slice %arg6[%dma_wait3A_736, %dma_wait3A_737] : memref<512x128xf32, #tpu.memory_space<vmem>> -> memref<128x128xf32, #tpu.memory_space<vmem>>
    %dma_wait3A_739 = arith.constant 0 : i32
    %dma_wait3A_740 = arith.constant 0 : i32
    %dma_wait3A_741 = tpu.memref_slice %arg4[%dma_wait3A_735, %dma_wait3A_739, %dma_wait3A_740] : memref<1x16384x128xf32, #tpu.memory_space<hbm>> -> memref<1x16384x128xf32, #tpu.memory_space<hbm>>
    %dma_wait3A_742 = tpu.memref_squeeze %dma_wait3A_741 : memref<1x16384x128xf32, #tpu.memory_space<hbm>> -> memref<16384x128xf32, #tpu.memory_space<hbm>>
    %dma_wait3A_743 = arith.constant 0 : i32
    %dma_wait3A_744 = tpu.memref_slice %dma_wait3A_742[%add3A_643, %dma_wait3A_743] : memref<16384x128xf32, #tpu.memory_space<hbm>> -> memref<128x128xf32, #tpu.memory_space<hbm>>
    %dma_wait3A_745 = arith.constant 0 : i32
    %dma_wait3A_746 = arith.constant 0 : i32
    %dma_wait3A_747 = tpu.memref_slice %arg4[%dma_wait3A_735, %dma_wait3A_745, %dma_wait3A_746] : memref<1x16384x128xf32, #tpu.memory_space<hbm>> -> memref<1x16384x128xf32, #tpu.memory_space<hbm>>
    %dma_wait3A_748 = tpu.memref_squeeze %dma_wait3A_747 : memref<1x16384x128xf32, #tpu.memory_space<hbm>> -> memref<16384x128xf32, #tpu.memory_space<hbm>>
    %dma_wait3A_749 = arith.constant 0 : i32
    %dma_wait3A_750 = tpu.memref_slice %dma_wait3A_748[%add3A_643, %dma_wait3A_749] : memref<16384x128xf32, #tpu.memory_space<hbm>> -> memref<128x128xf32, #tpu.memory_space<hbm>>
    %dma_wait3A_751 = arith.constant 256 : i32
    %dma_wait3A_752 = arith.constant 0 : i32
    %dma_wait3A_753 = tpu.memref_slice %arg6[%dma_wait3A_751, %dma_wait3A_752] : memref<512x128xf32, #tpu.memory_space<vmem>> -> memref<128x128xf32, #tpu.memory_space<vmem>>
    tpu.wait_dma2 semaphore(%arg7 : memref<!tpu.dma_semaphore, #tpu.memory_space<semaphore_mem>>) src(%dma_wait3A_753 : memref<128x128xf32, #tpu.memory_space<vmem>>) dst(%dma_wait3A_750 : memref<128x128xf32, #tpu.memory_space<hbm>>)
    %dma_wait3A_754 = arith.constant 0 : i32
    %dma_wait3A_755 = arith.constant 384 : i32
    %dma_wait3A_756 = arith.constant 0 : i32
    %dma_wait3A_757 = tpu.memref_slice %arg6[%dma_wait3A_755, %dma_wait3A_756] : memref<512x128xf32, #tpu.memory_space<vmem>> -> memref<128x128xf32, #tpu.memory_space<vmem>>
    %dma_wait3A_758 = arith.constant 0 : i32
    %dma_wait3A_759 = arith.constant 0 : i32
    %dma_wait3A_760 = tpu.memref_slice %arg4[%dma_wait3A_754, %dma_wait3A_758, %dma_wait3A_759] : memref<1x16384x128xf32, #tpu.memory_space<hbm>> -> memref<1x16384x128xf32, #tpu.memory_space<hbm>>
    %dma_wait3A_761 = tpu.memref_squeeze %dma_wait3A_760 : memref<1x16384x128xf32, #tpu.memory_space<hbm>> -> memref<16384x128xf32, #tpu.memory_space<hbm>>
    %dma_wait3A_762 = arith.constant 0 : i32
    %dma_wait3A_763 = tpu.memref_slice %dma_wait3A_761[%add3A_677, %dma_wait3A_762] : memref<16384x128xf32, #tpu.memory_space<hbm>> -> memref<128x128xf32, #tpu.memory_space<hbm>>
    %dma_wait3A_764 = arith.constant 0 : i32
    %dma_wait3A_765 = arith.constant 0 : i32
    %dma_wait3A_766 = tpu.memref_slice %arg4[%dma_wait3A_754, %dma_wait3A_764, %dma_wait3A_765] : memref<1x16384x128xf32, #tpu.memory_space<hbm>> -> memref<1x16384x128xf32, #tpu.memory_space<hbm>>
    %dma_wait3A_767 = tpu.memref_squeeze %dma_wait3A_766 : memref<1x16384x128xf32, #tpu.memory_space<hbm>> -> memref<16384x128xf32, #tpu.memory_space<hbm>>
    %dma_wait3A_768 = arith.constant 0 : i32
    %dma_wait3A_769 = tpu.memref_slice %dma_wait3A_767[%add3A_677, %dma_wait3A_768] : memref<16384x128xf32, #tpu.memory_space<hbm>> -> memref<128x128xf32, #tpu.memory_space<hbm>>
    %dma_wait3A_770 = arith.constant 384 : i32
    %dma_wait3A_771 = arith.constant 0 : i32
    %dma_wait3A_772 = tpu.memref_slice %arg6[%dma_wait3A_770, %dma_wait3A_771] : memref<512x128xf32, #tpu.memory_space<vmem>> -> memref<128x128xf32, #tpu.memory_space<vmem>>
    tpu.wait_dma2 semaphore(%arg7 : memref<!tpu.dma_semaphore, #tpu.memory_space<semaphore_mem>>) src(%dma_wait3A_772 : memref<128x128xf32, #tpu.memory_space<vmem>>) dst(%dma_wait3A_769 : memref<128x128xf32, #tpu.memory_space<hbm>>)
    return
  }
}

</mosaic_0001>

<sc_bundles>
// kernel: kernel.3.cloned.1.call-start
scs
__scs_entry_jumppad:
0x0: {  	(pc) =	sbr.rel $0x88, $3  }
0x1: {  	(tag) =	ssettag $0x0;
	lr =	simm.s32 $0x1  }
0x2: {  	[smem:$0x3F9F] =	sst lr;
	_ =	strace $0xD0000000  }
0x3: {  	_ = 	snop  }
0x4: {  	_ = 	snop  }
0x5: {  	_ = 	snop  }
0x6: {  	_ = 	snop  }
0x7: {  	_ = 	snop  }
__scs_overlays_trampoline_lowered:
0x8: {  	[smem:$0x3FAE] =	sst s0  }
0x9: {  	[smem:$0x3FAF] =	sst s1  }
0xa: {  	[smem:$0x3FB0] =	sst s2  }
0xb: {  	[smem:$0x3FB1] =	sst s3  }
0xc: {  	[smem:$0x3FB2] =	sst s4  }
0xd: {  	[smem:$0x3FB3] =	sst s5  }
0xe: {  	[smem:$0x3FB4] =	sst s6  }
0xf: {  	[smem:$0x3FB5] =	sst s7  }
0x10: {  	[smem:$0x3FB6] =	sst s8  }
0x11: {  	[smem:$0x3FB7] =	sst s9;
	s0 =	simm.s32 @!p0 $0x0  }
0x12: {  	s1 =	sld [smem:$0x3F9D];
	s0 =	simm.s32 @p0 $0x1  }
0x13: {  	[smem:$0x3FB8] =	sst s0;
	s0 =	simm.s32 @!p1 $0x0  }
0x14: {  	s2 =	sld [smem:$0x3F9C];
	s0 =	simm.s32 @p1 $0x1  }
0x15: {  	[smem:$0x3FB9] =	sst s0;
	s0 =	simm.s32 @!p2 $0x0  }
0x16: {  	s3 =	sld [smem:$0x3FDB];
	s0 =	simm.s32 @p2 $0x1  }
0x17: {  	s4 =	simm.s32 $0x1BF5;
	[smem:$0x3FBB] =	sst s0  }
0x18: {  	s0 =	sld [smem:$0x3F9E];
	_ =	swait.ge [sflag:s4], $0x0  }
0x19: {  	s7 =	sld [smem:$0x3F9F]  }
0x1a: {  	s8 =	sadd.s32 $0xFFFFE003, lr  }
0x1b: {  	s9 =	sadd.s32 $0xFFFFFEF7, lr;
	s5 =	simm.s32 $0xFFFFFFFF;
	p2 =	slt.u32 s8, $0xFFFFF086  }
0x1c: {  	p1 =	slt.u32 s9, $0xF7A;
	s5 =	simm.s32 @!p2 $0x0  }
0x1d: {  	s5 =	simm.s32 @p1 $0x1;
	p0 =	seq.s32 s7, s2  }
0x1e: {  	s7 =	smul.u32 @!p0 $0xF7A, s2;
	p2 =	seq.s32 @!p0 s5, $0x0  }
0x1f: {  	s9 =	smul.u32 $0xF7A, s1;
	s8 =	simm.s32 @!p0 $0x1BF5;
	p2 =	por !p2, p0  }
0x20: {  	[sflag:s8] =	ssyncset.s32 @!p0 $0xFFFFF086;
	s6 =	sadd.s32 @!p0 s3, s7;
	s7 =	simm.s32 @!p0 $0x108  }
0x21: {  	s3 =	sadd.s32 s3, s9;
	s6 =	sadd.s32 @!p0 $0x88, s6;
	s7 =	simm.s32 @p2 $0x1082  }
0x22: {  	[simem:s7], [sflag:s8] =	dma.local @!p0 [hbm:s6], $0xF7A  }
0x23: {  	s9 =	sor.u32 $0xD0000000, s2;
	s6 =	simm.s32 $0x108;
	_ =	swait.ge @!p0 [sflag:s8], $0x0  }
0x24: {  	s3 =	sadd.s32 $0x88, s3;
	s6 =	simm.s32 @!p1 $0x1082;
	[sflag:s4] =	ssyncset.s32 $0xFFFFF086  }
0x25: {  	[simem:s6], [sflag:s4] =	dma.local [hbm:s3], $0xF7A  }
0x26: {  	[smem:$0x3F9F] =	sst s1;
	(tag) =	ssettag s2;
	_ =	strace s9  }
0x27: {  	s1 =	sld [smem:$0x3FAF]  }
0x28: {  	s2 =	sld [smem:$0x3FB0]  }
0x29: {  	s4 =	sld [smem:$0x3FB2]  }
0x2a: {  	p0 =	seq.s32 s5, $0x0;
	s5 =	sld [smem:$0x3FB3]  }
0x2b: {  	s6 =	sld [smem:$0x3FB4]  }
0x2c: {  	s7 =	sld [smem:$0x3FB5]  }
0x2d: {  	s3 =	simm.s32 $0x108;
	s8 =	sld [smem:$0x3FB6]  }
0x2e: {  	s3 =	simm.s32 @!p0 $0x1082;
	s9 =	sld [smem:$0x3FB7]  }
0x2f: {  	lr =	sadd.s32 s0, s3;
	s0 =	sld [smem:$0x3FAE]  }
0x30: {  	s3 =	sld [smem:$0x3FB1]  }
0x31: {  	[smem:$0x3FBA] =	sst s10  }
0x32: {  	s10 =	sld [smem:$0x3FB8];
	_ =	sdelay $0x3  }
0x33: {  	p0 =	seq.s32 s10, $0x1;
	s10 =	sld [smem:$0x3FBA];
	_ =	sdelay $0x3  }
0x34: {  	[smem:$0x3FBA] =	sst s10  }
0x35: {  	s10 =	sld [smem:$0x3FB9];
	_ =	sdelay $0x3  }
0x36: {  	p1 =	seq.s32 s10, $0x1;
	s10 =	sld [smem:$0x3FBA];
	_ =	sdelay $0x3  }
0x37: {  	[smem:$0x3FBA] =	sst s10  }
0x38: {  	s10 =	sld [smem:$0x3FBB]  }
0x39: {  	_ = 	snop;
	(pc) =	sbr.ind lr, $3  }
0x3a: {  	_ = 	snop  }
0x3b: {  	_ = 	snop  }
0x3c: {  	p2 =	seq.s32 s10, $0x1;
	s10 =	sld [smem:$0x3FBA]  }
0x3d: {  	_ =	shalt  }
0x3e: {  	_ =	shalt  }
0x3f: {  	_ =	shalt  }
0x40: {  	_ =	shalt  }
0x41: {  	_ =	shalt  }
0x42: {  	_ =	shalt  }
0x43: {  	_ =	shalt  }
0x44: {  	_ =	shalt  }
0x45: {  	_ =	shalt  }
0x46: {  	_ =	shalt  }
0x47: {  	_ =	shalt  }
0x48: {  	_ =	shalt  }
0x49: {  	_ =	shalt  }
0x4a: {  	_ =	shalt  }
0x4b: {  	_ =	shalt  }
0x4c: {  	_ =	shalt  }
0x4d: {  	_ =	shalt  }
0x4e: {  	_ =	shalt  }
0x4f: {  	_ =	shalt  }
0x50: {  	_ =	shalt  }
0x51: {  	_ =	shalt  }
0x52: {  	_ =	shalt  }
0x53: {  	_ =	shalt  }
0x54: {  	_ =	shalt  }
0x55: {  	_ =	shalt  }
0x56: {  	_ =	shalt  }
0x57: {  	_ =	shalt  }
0x58: {  	_ =	shalt  }
0x59: {  	_ =	shalt  }
0x5a: {  	_ =	shalt  }
0x5b: {  	_ =	shalt  }
0x5c: {  	_ =	shalt  }
0x5d: {  	_ =	shalt  }
0x5e: {  	_ =	shalt  }
0x5f: {  	_ =	shalt  }
0x60: {  	_ =	shalt  }
0x61: {  	_ =	shalt  }
0x62: {  	_ =	shalt  }
0x63: {  	_ =	shalt  }
0x64: {  	_ =	shalt  }
0x65: {  	_ =	shalt  }
0x66: {  	_ =	shalt  }
0x67: {  	_ =	shalt  }
0x68: {  	_ =	shalt  }
0x69: {  	_ =	shalt  }
0x6a: {  	_ =	shalt  }
0x6b: {  	_ =	shalt  }
0x6c: {  	_ =	shalt  }
0x6d: {  	_ =	shalt  }
0x6e: {  	_ =	shalt  }
0x6f: {  	_ =	shalt  }
0x70: {  	_ =	shalt  }
0x71: {  	_ =	shalt  }
0x72: {  	_ =	shalt  }
0x73: {  	_ =	shalt  }
0x74: {  	_ =	shalt  }
0x75: {  	_ =	shalt  }
0x76: {  	_ =	shalt  }
0x77: {  	_ =	shalt  }
0x78: {  	_ =	shalt  }
0x79: {  	_ =	shalt  }
0x7a: {  	_ =	shalt  }
0x7b: {  	_ =	shalt  }
0x7c: {  	_ =	shalt  }
0x7d: {  	_ =	shalt  }
0x7e: {  	_ =	shalt  }
0x7f: {  	_ =	shalt  }
0x80: {  	_ =	shalt  }
0x81: {  	_ =	shalt  }
0x82: {  	_ =	shalt  }
0x83: {  	_ =	shalt  }
0x84: {  	_ =	shalt  }
0x85: {  	_ =	shalt  }
0x86: {  	_ =	shalt  }
0x87: {  	_ =	shalt  }
.Lfunc_end0:
.L_simem_size_0:
called_computation_lowered:
.L_overlay_start_0:
0x88: {  	s2 =	sld [smem:$0x3FD9]  }
0x89: {  	s3 =	sld [smem:$0x3FFE];
	_ =	sdelay $0x1  }
0x8a: {  	s1 =	srdreg.scid  }
0x8b: {  	s0 =	sand.u32 $0x1, s1  }
0x8c: {  	s18 =	sshll.u32 s0, $0xA;
	s2 =	sadd.s32 s3, s2  }
0x8d: {  	s2 =	sadd.s32 s2, s18  }
0x8e: {  	[smem:$0x3FC6] =	sst s2  }
0x8f: {  	_ = 	snop  }
0x90: {  	s2 =	sld [smem:$0x3FC9]  }
0x91: {  	s19 =	sld [smem:$0x3FC8]  }
0x92: {  	s4 =	sld [smem:$0x3FD0];
	(tm) =	ssettm $0x1  }
0x93: {  	s5 =	sld [smem:$0x3FFB];
	_ =	sdelay $0x3  }
0x94: {  	_ =	strace s5  }
0x95: {  	s5 =	sld [smem:$0x3FFC];
	_ =	sdelay $0x3  }
0x96: {  	_ =	strace s5  }
0x97: {  	s5 =	sld [smem:$0x3FFD];
	_ =	sdelay $0x3  }
0x98: {  	_ =	strace s5  }
0x99: {  	_ =	strace $0x8FFFFFFF  }
0x9a: {  	s20 =	sld [smem:$0x3FDB];
	_ =	sdelay $0x1  }
0x9b: {  	s6 =	simm.s32 $_scs_section_size  }
0x9c: {  	s7 =	simm.s32 $_size__tile_overlayer_lowered;
	s8 =	simm.s32 $_tile_overlayer_lowered  }
0x9d: {  	s23 =	simm.s32 $0x1BFF;
	s22 =	sshll.u32 s8, $0x1;
	s5 =	sadd.s32 s6, s20  }
0x9e: {  	s9 =	simm.s32 $0x0;
	s21 =	sshll.u32 s7, $0x1;
	s7 =	sadd.s32 s22, s5  }
0x9f: {  	[timem:s9], [sflag:s23] =	dma.local [hbm:s7], s21  }
0xa0: {  	_ =	swait.ge [sflag:s23], s21  }
0xa1: {  	s6 =	ssub.s32 $0x0, s21;
	[sflag:s23] =	ssyncset.done $0x0  }
0xa2: {  	[sflag:s23] =	ssyncadd.s32 s6;
	_ =	sdelay $0x1  }
0xa3: {  	s24 =	simm.s32 $0x1B8B  }
0xa4: {  	_ =	swait.ge [sflag:s24], $0x1  }
0xa5: {  	[sflag:s24] =	ssyncset.done $0x0  }
0xa6: {  	s25 =	simm.s32 $0x1B8E;
	[sflag:s24] =	ssyncadd.s32 $0xFFFFFFFF  }
0xa7: {  	s26 =	simm.s32 $execute0_lowered;
	[smem:$0x3FD2] =	sst s25  }
0xa8: {  	s6 =	sshll.u32 s26, $0x1;
	_ =	strace $0x80000046;
	[dreg:$0x1] =	wrdreg $0xFFFFFFFF  }
0xa9: {  	s28 =	simm.s32 $_size_execute0_lowered;
	s5 =	sadd.s32 s5, s6;
	[dreg:$0x0] =	wrdreg $0x0  }
0xaa: {  	s6 =	sshll.u32 s28, $0x1;
	[dreg:$0x2] =	wrdreg s5  }
0xab: {  	[dreg:$0x3] =	wrdreg s6  }
0xac: {  	[dreg:$0x4] =	wrdreg $0xC0  }
0xad: {  	_ =	task [dreg:s9], $0x5FFFF  }
0xae: {  	[dreg:$0x1] =	wrdreg $0xFFFFFFFF  }
0xaf: {  	[dreg:$0x0] =	wrdreg $0x60  }
0xb0: {  	[dreg:$0x2] =	wrdreg s2  }
0xb1: {  	[dreg:$0x3] =	wrdreg s19  }
0xb2: {  	[dreg:$0x4] =	wrdreg s4  }
0xb3: {  	[dreg:$0x5] =	wrdreg $0x9  }
0xb4: {  	_ =	task.clear_ibuf [dreg:s9], $0x6FFFF;
	_ =	strace $0x90000046  }
0xb5: {  	s29 =	simm.s32 $0x9;
	_ =	strace $0x80000048  }
0xb6: {  	_ =	swait.ge [sflag:s29], $0x1  }
0xb7: {  	[sflag:s29] =	ssyncadd.s32 $0xFFFFFFFF  }
0xb8: {  	_ =	strace $0x90000048  }
0xb9: {  	_ =	sfence  }
0xba: {  	s30 =	sld [smem:$0x0];
	_ =	sdelay $0x2  }
0xbb: {  	s31 =	sshll.u32 s1, $0xD;
	s1 =	sshrl.u32 s1, $0x2  }
0xbc: {  	s3 =	sand.u32 $0x4000, s31;
	s1 =	sadd.s32 s1, s30  }
0xbd: {  	s0 =	sor.u32 s3, s0;
	s1 =	sshll.u32 s1, $0x11  }
0xbe: {  	s0 =	sor.u32 s1, s0  }
0xbf: {  	s0 =	sadd.s32 $0x8F2B, s0  }
0xc0: {  	[sflag:s0] =	ssyncadd.remote.s32 $0x1  }
0xc1: {  	_ =	sfence.sel $0xFFFF  }
0xc2: {  	[dreg:$0x0] =	wrdreg $0xFFFFFFFF;
	(pc) =	sbr.abs _section_cstart, $3  }
0xc3: {  	[dreg:$0x1] =	wrdreg $0xFFFFFFFF  }
0xc4: {  	_ =	task.clear_ibuf [dreg:s9], $0x2FFFF;
	_ =	strace $0x9FFFFFFF  }
0xc5: {  	(tm) =	ssettm $0x7FFFFFFF  }
tec
execute0_lowered:
.L_overlay_start_1:
0x0: {  	(tag) =	ssettag $0x1  }
0x1: {  	s4 =	rddreg [dreg:$0x0];
	s1 =	srdreg.scid  }
0x2: {  	s3 =	rddreg [dreg:$0x1];
	s0 =	stileid.u32;
	s10 =	sand.u32 $0x1, s1  }
0x3: {  	s9 =	rddreg [dreg:$0x2];
	s5 =	sshll.u32 s0, $0xA;
	s6 =	sshll.u32 s10, $0x9  }
0x4: {  	s2 =	simm.s32 $0x0;
	s1 =	rddreg [dreg:$0x3];
	s11 =	sor.u32 s6, s5  }
0x5: {  	[smem:$0x7FF] =	sst s2;
	s5 =	sshrl.u32 s11, $0x3  }
0x6: {  	_ =	strace $0x80000047;
	s4 =	sadd.s32 s4, s5;
	s5 =	simm.s32 $0x6  }
0x7: {  	[tilespmem:s2], [sflag:$0x6] =	stream.linear.gather [hbm4b:s4+s2], $0x200, $0x38;
	[tilespmem:$0x10200] =	vst v63  }
0x8: {  	_ =	swait.ge [sflag:s5], $0x200  }
0x9: {  	[sflag:s5] =	ssyncset.done $0x0  }
0xa: {  	[sflag:s5] =	ssyncadd.s32 $0xFFFFFE00  }
0xb: {  	v0 =	vld [tilespmem:$0x10]  }
0xc: {  	v1 =	vld [tilespmem:$0x60]  }
0xd: {  	v2 =	vld [tilespmem:$0x0]  }
0xe: {  	v3 =	vld [tilespmem:$0x30]  }
0xf: {  	v4 =	vld [tilespmem:$0x20]  }
0x10: {  	v5 =	vld [tilespmem:$0x40]  }
0x11: {  	v6 =	vld [tilespmem:$0x50]  }
0x12: {  	v7 =	vld [tilespmem:$0x70];
	_ =	sdelay $0x1  }
0x13: {  	vm0 =	vgt.s32 v0, $0x0;
	vm1 =	vgt.s32 v1, $0x0  }
0x14: {  	vm2 =	vgt.s32 v2, $0x0;
	vm7 =	vgt.s32 v3, $0x0;
	vm8 =	vgt.s32 v4, $0x0  }
0x15: {  	vm9 =	vgt.s32 v5, $0x0;
	vm10 =	vgt.s32 v6, $0x0;
	v0 =	vnsel vm0, $0x0, v0  }
0x16: {  	vm11 =	vgt.s32 v7, $0x0;
	v3 =	vnsel vm7, $0x0, v3;
	v0 =	vmin.u32 v0, $0x1869F  }
0x17: {  	v2 =	vnsel vm2, $0x0, v2;
	v3 =	vmin.u32 v3, $0x1869F;
	v0 =	vadd.s32 $0x1, v0  }
0x18: {  	v4 =	vnsel vm8, $0x0, v4;
	v2 =	vmin.u32 v2, $0x1869F;
	v3 =	vadd.s32 $0x1, v3;
	[tilespmem:$0x10] =	vst v0  }
0x19: {  	v2 =	vadd.s32 $0x1, v2;
	v0 =	vmin.u32 v4, $0x1869F;
	v4 =	vnsel vm9, $0x0, v5;
	[tilespmem:$0x30] =	vst v3  }
0x1a: {  	v1 =	vnsel vm1, $0x0, v1;
	[tilespmem:$0x0] =	vst v2;
	v0 =	vadd.s32 $0x1, v0;
	v3 =	vmin.u32 v4, $0x1869F  }
0x1b: {  	v1 =	vmin.u32 v1, $0x1869F;
	v4 =	vnsel vm10, $0x0, v6;
	[tilespmem:$0x20] =	vst v0;
	v0 =	vadd.s32 $0x1, v3  }
0x1c: {  	v1 =	vadd.s32 $0x1, v1;
	v3 =	vmin.u32 v4, $0x1869F;
	[tilespmem:$0x40] =	vst v0;
	v0 =	vnsel vm11, $0x0, v7  }
0x1d: {  	[tilespmem:$0x60] =	vst v1;
	v3 =	vadd.s32 $0x1, v3;
	v0 =	vmin.u32 v0, $0x1869F  }
0x1e: {  	[tilespmem:$0x50] =	vst v3;
	v0 =	vadd.s32 $0x1, v0  }
0x1f: {  	s7 =	simm.s32 $0x80;
	s6 =	simm.s32 $0x200;
	[tilespmem:$0x70] =	vst v0  }
0x20: {  	[tilespmem:s6], [sflag:$0x2] =	stream.indirect.gather [hbm4b:s3+s7], $0x80, s2, s7, $0xb8;
	[tilespmem:$0x10200] =	vst v63  }
0x21: {  	v0 =	vld [tilespmem:$0xB0]  }
0x22: {  	v1 =	vld [tilespmem:$0xF0]  }
0x23: {  	v2 =	vld [tilespmem:$0x80]  }
0x24: {  	v3 =	vld [tilespmem:$0xD0]  }
0x25: {  	v4 =	vld [tilespmem:$0xC0]  }
0x26: {  	v5 =	vld [tilespmem:$0x90]  }
0x27: {  	v60 =	vld [tilespmem:$0xE0]  }
0x28: {  	v61 =	vld [tilespmem:$0xA0];
	_ =	sdelay $0x1  }
0x29: {  	vm12 =	vgt.s32 v1, $0x0;
	vm13 =	vgt.s32 v2, $0x0  }
0x2a: {  	vm14 =	vgt.s32 v0, $0x0;
	vm15 =	vgt.s32 v3, $0x0;
	vm4 =	vgt.s32 v4, $0x0  }
0x2b: {  	vm5 =	vgt.s32 v5, $0x0;
	vm6 =	vgt.s32 v60, $0x0;
	v0 =	vnsel vm14, $0x0, v0  }
0x2c: {  	vm7 =	vgt.s32 v61, $0x0;
	v4 =	vnsel vm4, $0x0, v4;
	v0 =	vmin.u32 v0, $0x1869F  }
0x2d: {  	v3 =	vnsel vm15, $0x0, v3;
	v4 =	vmin.u32 v4, $0x1869F;
	v0 =	vadd.s32 $0x1, v0  }
0x2e: {  	v2 =	vnsel vm13, $0x0, v2;
	v3 =	vmin.u32 v3, $0x1869F;
	[tilespmem:$0xB0] =	vst v0;
	v0 =	vadd.s32 $0x1, v4  }
0x2f: {  	v1 =	vnsel vm12, $0x0, v1;
	v2 =	vmin.u32 v2, $0x1869F;
	[tilespmem:$0xC0] =	vst v0;
	v0 =	vadd.s32 $0x1, v3  }
0x30: {  	v5 =	vnsel vm5, $0x0, v5;
	v2 =	vadd.s32 $0x1, v2;
	[tilespmem:$0xD0] =	vst v0;
	v0 =	vmin.u32 v1, $0x1869F  }
0x31: {  	[tilespmem:$0x80] =	vst v2;
	v3 =	vnsel vm6, $0x0, v60;
	v1 =	vmin.u32 v5, $0x1869F;
	v0 =	vadd.s32 $0x1, v0  }
0x32: {  	v2 =	vnsel vm7, $0x0, v61;
	v3 =	vmin.u32 v3, $0x1869F;
	v1 =	vadd.s32 $0x1, v1;
	[tilespmem:$0xF0] =	vst v0  }
0x33: {  	v0 =	vmin.u32 v2, $0x1869F;
	[tilespmem:$0x90] =	vst v1;
	v1 =	vadd.s32 $0x1, v3  }
0x34: {  	v0 =	vadd.s32 $0x1, v0;
	[tilespmem:$0xE0] =	vst v1  }
0x35: {  	s8 =	simm.s32 $0x4200;
	[tilespmem:$0xA0] =	vst v0  }
0x36: {  	[tilespmem:s8], [sflag:$0x3] =	stream.indirect.gather [hbm4b:s3+s7], $0x80, s7, s7, $0xb8;
	[tilespmem:$0x10200] =	vst v63  }
0x37: {  	v0 =	vld [tilespmem:$0x100]  }
0x38: {  	v1 =	vld [tilespmem:$0x110]  }
0x39: {  	v2 =	vld [tilespmem:$0x130]  }
0x3a: {  	v3 =	vld [tilespmem:$0x140]  }
0x3b: {  	v4 =	vld [tilespmem:$0x150]  }
0x3c: {  	v5 =	vld [tilespmem:$0x120];
	_ =	sdelay $0x2  }
0x3d: {  	vm8 =	vgt.s32 v0, $0x0;
	vm9 =	vgt.s32 v1, $0x0  }
0x3e: {  	vm10 =	vgt.s32 v2, $0x0;
	vm11 =	vgt.s32 v3, $0x0;
	vm12 =	vgt.s32 v4, $0x0  }
0x3f: {  	v62 =	vld [tilespmem:$0x160];
	vm13 =	vgt.s32 v5, $0x0;
	v0 =	vnsel vm8, $0x0, v0;
	v1 =	vnsel vm9, $0x0, v1  }
0x40: {  	v63 =	vld [tilespmem:$0x170];
	v3 =	vnsel vm11, $0x0, v3;
	v2 =	vnsel vm10, $0x0, v2;
	v0 =	vmin.u32 v0, $0x1869F  }
0x41: {  	v4 =	vnsel vm12, $0x0, v4;
	v1 =	vmin.u32 v1, $0x1869F;
	v0 =	vadd.s32 $0x1, v0  }
0x42: {  	v3 =	vmin.u32 v3, $0x1869F;
	v1 =	vadd.s32 $0x1, v1;
	[tilespmem:$0x100] =	vst v0;
	v0 =	vmin.u32 v2, $0x1869F  }
0x43: {  	v2 =	vadd.s32 $0x1, v3;
	v3 =	vmin.u32 v4, $0x1869F;
	v4 =	vnsel vm13, $0x0, v5;
	[tilespmem:$0x110] =	vst v1  }
0x44: {  	vm14 =	vgt.s32 v62, $0x0;
	[tilespmem:$0x140] =	vst v2;
	v0 =	vadd.s32 $0x1, v0;
	v1 =	vmin.u32 v4, $0x1869F  }
0x45: {  	s10 =	ssub.s32 $0x2, s10;
	vm15 =	vgt.s32 v63, $0x0;
	v2 =	vnsel vm14, $0x0, v62;
	v1 =	vadd.s32 $0x1, v1;
	[tilespmem:$0x130] =	vst v0  }
0x46: {  	s12 =	sshrl.u32 s10, $0x1;
	v0 =	vadd.s32 $0x1, v3;
	v2 =	vmin.u32 v2, $0x1869F;
	v3 =	vnsel vm15, $0x0, v63;
	[tilespmem:$0x120] =	vst v1  }
0x47: {  	s15 =	ssub.s32 s10, s12;
	v1 =	vadd.s32 $0x1, v2;
	v2 =	vmin.u32 v3, $0x1869F;
	[tilespmem:$0x150] =	vst v0  }
0x48: {  	s22 =	smax.u32 s15, $0x1;
	v0 =	vadd.s32 $0x1, v2;
	[tilespmem:$0x160] =	vst v1  }
0x49: {  	s21 =	simm.s32 $0x100;
	s10 =	simm.s32 $0x8200;
	p0 =	sne.s32 s22, $0x1;
	[tilespmem:$0x170] =	vst v0  }
0x4a: {  	[tilespmem:s10], [sflag:$0x4] =	stream.indirect.gather [hbm4b:s3+s7], $0x80, s21, s7, $0xb8;
	[tilespmem:$0x10200] =	vst v63  }
.Ltmp0:
0x4b: {  	s20 =	simm.s32 $0x180;
	(pc) =	sbr.rel @!p0 .LBB2_2-.Ltmp0, $4  }
0x4c: {  	s19 =	simm.s32 $0x2;
	s18 =	simm.s32 $0x3;
	s11 =	sshll.u32 s11, $0x4;
	v0 =	vld [tilespmem:$0x1F0]  }
0x4d: {  	s17 =	simm.s32 $0x4;
	s16 =	simm.s32 $0x5;
	s13 =	sadd.s32 s9, s11;
	v1 =	vld [tilespmem:$0x190]  }
0x4e: {  	s15 =	simm.s32 $0xC200;
	s11 =	simm.s32 $0x1;
	s12 =	sadd.s32 $0x800, s13;
	v3 =	vld [tilespmem:$0x1A0]  }
0x4f: {  	s14 =	sadd.s32 $0x1000, s13;
	s9 =	sadd.s32 $0x1800, s13;
	s22 =	sadd.s32 $0xFFFFFFFF, s22;
	v2 =	vld [tilespmem:$0x1B0]  }
.LBB2_1:
0x50: {  	p0 =	sne.s32 s22, $0x1;
	s22 =	sadd.s32 $0xFFFFFFFF, s22;
	v4 =	vld [tilespmem:$0x1C0]  }
0x51: {  	v5 =	vld [tilespmem:$0x180];
	vm0 =	vgt.s32 v0, $0x0  }
0x52: {  	vm1 =	vgt.s32 v1, $0x0;
	v6 =	vld [tilespmem:$0x1D0];
	v0 =	vnsel vm0, $0x0, v0  }
0x53: {  	v1 =	vnsel vm1, $0x0, v1;
	vm0 =	vgt.s32 v3, $0x0;
	v7 =	vld [tilespmem:$0x1E0];
	v0 =	vmin.u32 v0, $0x1869F  }
0x54: {  	v1 =	vmin.u32 v1, $0x1869F;
	v3 =	vnsel vm0, $0x0, v3;
	vm0 =	vgt.s32 v2, $0x0  }
0x55: {  	v3 =	vmin.u32 v3, $0x1869F;
	v2 =	vnsel vm0, $0x0, v2;
	vm0 =	vgt.s32 v4, $0x0  }
0x56: {  	v3 =	vadd.s32 $0x1, v3;
	v2 =	vmin.u32 v2, $0x1869F;
	v4 =	vnsel vm0, $0x0, v4  }
0x57: {  	vm0 =	vgt.s32 v5, $0x0;
	[tilespmem:$0x1A0] =	vst v3;
	v2 =	vadd.s32 $0x1, v2;
	v3 =	vmin.u32 v4, $0x1869F  }
0x58: {  	v4 =	vnsel vm0, $0x0, v5;
	vm0 =	vgt.s32 v6, $0x0;
	[tilespmem:$0x1B0] =	vst v2;
	v2 =	vadd.s32 $0x1, v3  }
0x59: {  	v3 =	vmin.u32 v4, $0x1869F;
	[tilespmem:$0x1C0] =	vst v2;
	v2 =	vnsel vm0, $0x0, v6;
	vm0 =	vgt.s32 v7, $0x0  }
0x5a: {  	v3 =	vadd.s32 $0x1, v3;
	v2 =	vmin.u32 v2, $0x1869F;
	v4 =	vnsel vm0, $0x0, v7  }
0x5b: {  	v0 =	vadd.s32 $0x1, v0;
	[tilespmem:$0x180] =	vst v3;
	v2 =	vadd.s32 $0x1, v2;
	v3 =	vmin.u32 v4, $0x1869F  }
0x5c: {  	[tilespmem:$0x1D0] =	vst v2;
	v2 =	vadd.s32 $0x1, v3  }
0x5d: {  	v1 =	vadd.s32 $0x1, v1;
	[tilespmem:$0x1E0] =	vst v2  }
0x5e: {  	[tilespmem:$0x1F0] =	vst v0  }
0x5f: {  	[tilespmem:$0x190] =	vst v1  }
0x60: {  	[tilespmem:s15], [sflag:$0x5] =	stream.indirect.gather [hbm4b:s3+s7], $0x80, s20, s7, $0xb8;
	[tilespmem:$0x10200] =	vst v63  }
0x61: {  	_ =	swait.ge [sflag:s19], $0x4000  }
0x62: {  	[sflag:s19] =	ssyncset.done $0x0  }
0x63: {  	[sflag:s19] =	ssyncadd.s32 $0xFFFFC000  }
0x64: {  	[hbm4b:s13+s2] =	stream.linear.scatter [tilespmem:s6], [sflag:$0x1], $0x4000, $0x38;
	[tilespmem:$0x10200] =	vst v63  }
0x65: {  	_ =	swait.ge [sflag:s18], $0x4000  }
0x66: {  	[sflag:s18] =	ssyncset.done $0x0  }
0x67: {  	[sflag:s18] =	ssyncadd.s32 $0xFFFFC000  }
0x68: {  	[hbm4b:s12+s2] =	stream.linear.scatter [tilespmem:s8], [sflag:$0x1], $0x4000, $0x38;
	[tilespmem:$0x10200] =	vst v63  }
0x69: {  	_ =	swait.ge [sflag:s17], $0x4000  }
0x6a: {  	[sflag:s17] =	ssyncset.done $0x0  }
0x6b: {  	[sflag:s17] =	ssyncadd.s32 $0xFFFFC000  }
0x6c: {  	[hbm4b:s14+s2] =	stream.linear.scatter [tilespmem:s10], [sflag:$0x1], $0x4000, $0x38;
	[tilespmem:$0x10200] =	vst v63  }
0x6d: {  	_ =	swait.ge [sflag:s16], $0x4000  }
0x6e: {  	[sflag:s16] =	ssyncset.done $0x0  }
0x6f: {  	[sflag:s16] =	ssyncadd.s32 $0xFFFFC000  }
0x70: {  	[hbm4b:s9+s2] =	stream.linear.scatter [tilespmem:s15], [sflag:$0x1], $0x4000, $0x38;
	[tilespmem:$0x10200] =	vst v63  }
0x71: {  	_ =	swait.ge [sflag:s11], $0x4000  }
0x72: {  	[sflag:s11] =	ssyncset.done $0x0  }
0x73: {  	[sflag:s11] =	ssyncadd.s32 $0xFFFFC000  }
0x74: {  	_ =	swait.ge [sflag:s11], $0x4000  }
0x75: {  	[sflag:s11] =	ssyncset.done $0x0  }
0x76: {  	[sflag:s11] =	ssyncadd.s32 $0xFFFFC000  }
0x77: {  	_ =	swait.ge [sflag:s11], $0x4000  }
0x78: {  	[sflag:s11] =	ssyncset.done $0x0  }
0x79: {  	[sflag:s11] =	ssyncadd.s32 $0xFFFFC000  }
0x7a: {  	_ =	swait.ge [sflag:s11], $0x4000  }
0x7b: {  	[sflag:s11] =	ssyncset.done $0x0  }
0x7c: {  	[sflag:s11] =	ssyncadd.s32 $0xFFFFC000  }
0x7d: {  	[tilespmem:s2], [sflag:$0x6] =	stream.linear.gather [hbm4b:s4+s2], $0x200, $0x38;
	[tilespmem:$0x10200] =	vst v63  }
0x7e: {  	_ =	swait.ge [sflag:s5], $0x200  }
0x7f: {  	[sflag:s5] =	ssyncset.done $0x0  }
0x80: {  	[sflag:s5] =	ssyncadd.s32 $0xFFFFFE00  }
0x81: {  	v0 =	vld [tilespmem:$0x20]  }
0x82: {  	v1 =	vld [tilespmem:$0x10]  }
0x83: {  	v2 =	vld [tilespmem:$0x60]  }
0x84: {  	v3 =	vld [tilespmem:$0x0]  }
0x85: {  	v4 =	vld [tilespmem:$0x30]  }
0x86: {  	v5 =	vld [tilespmem:$0x50]  }
0x87: {  	v6 =	vld [tilespmem:$0x70]  }
0x88: {  	vm0 =	vgt.s32 v1, $0x0;
	v7 =	vld [tilespmem:$0x40];
	vm1 =	vgt.s32 v2, $0x0  }
0x89: {  	v1 =	vnsel vm0, $0x0, v1;
	vm2 =	vgt.s32 v3, $0x0;
	v2 =	vnsel vm1, $0x0, v2  }
0x8a: {  	v1 =	vmin.u32 v1, $0x1869F;
	v3 =	vnsel vm2, $0x0, v3;
	vm0 =	vgt.s32 v4, $0x0  }
0x8b: {  	v1 =	vadd.s32 $0x1, v1;
	v4 =	vnsel vm0, $0x0, v4;
	vm0 =	vgt.s32 v5, $0x0  }
0x8c: {  	vm1 =	vgt.s32 v0, $0x0;
	v3 =	vmin.u32 v3, $0x1869F;
	[tilespmem:$0x10] =	vst v1;
	v1 =	vnsel vm0, $0x0, v5  }
0x8d: {  	v0 =	vnsel vm1, $0x0, v0;
	v4 =	vmin.u32 v4, $0x1869F;
	vm0 =	vgt.s32 v7, $0x0  }
0x8e: {  	v0 =	vmin.u32 v0, $0x1869F;
	v4 =	vadd.s32 $0x1, v4;
	v5 =	vnsel vm0, $0x0, v7  }
0x8f: {  	v0 =	vadd.s32 $0x1, v0;
	vm0 =	vgt.s32 v6, $0x0;
	[tilespmem:$0x30] =	vst v4;
	v4 =	vmin.u32 v5, $0x1869F  }
0x90: {  	v1 =	vmin.u32 v1, $0x1869F;
	[tilespmem:$0x20] =	vst v0;
	v0 =	vadd.s32 $0x1, v4;
	v4 =	vnsel vm0, $0x0, v6  }
0x91: {  	v3 =	vadd.s32 $0x1, v3;
	[tilespmem:$0x40] =	vst v0;
	v0 =	vadd.s32 $0x1, v1;
	v1 =	vmin.u32 v4, $0x1869F  }
0x92: {  	v2 =	vmin.u32 v2, $0x1869F;
	[tilespmem:$0x0] =	vst v3;
	v1 =	vadd.s32 $0x1, v1  }
0x93: {  	[tilespmem:$0x50] =	vst v0;
	v0 =	vadd.s32 $0x1, v2  }
0x94: {  	[tilespmem:$0x60] =	vst v0  }
0x95: {  	[tilespmem:$0x70] =	vst v1  }
0x96: {  	[tilespmem:s6], [sflag:$0x2] =	stream.indirect.gather [hbm4b:s3+s7], $0x80, s2, s7, $0xb8;
	[tilespmem:$0x10200] =	vst v63  }
0x97: {  	v0 =	vld [tilespmem:$0xB0]  }
0x98: {  	v1 =	vld [tilespmem:$0xF0]  }
0x99: {  	v2 =	vld [tilespmem:$0x80]  }
0x9a: {  	v3 =	vld [tilespmem:$0xD0]  }
0x9b: {  	v4 =	vld [tilespmem:$0xC0]  }
0x9c: {  	v5 =	vld [tilespmem:$0x90]  }
0x9d: {  	v6 =	vld [tilespmem:$0xA0];
	vm0 =	vgt.s32 v1, $0x0  }
0x9e: {  	vm1 =	vgt.s32 v2, $0x0;
	v7 =	vld [tilespmem:$0xE0];
	v1 =	vnsel vm0, $0x0, v1  }
0x9f: {  	vm0 =	vgt.s32 v0, $0x0;
	v2 =	vnsel vm1, $0x0, v2;
	vm1 =	vgt.s32 v3, $0x0  }
0xa0: {  	v0 =	vnsel vm0, $0x0, v0;
	vm0 =	vgt.s32 v4, $0x0;
	v3 =	vnsel vm1, $0x0, v3  }
0xa1: {  	v0 =	vmin.u32 v0, $0x1869F;
	vm1 =	vgt.s32 v5, $0x0;
	v4 =	vnsel vm0, $0x0, v4  }
0xa2: {  	v0 =	vadd.s32 $0x1, v0;
	v3 =	vmin.u32 v3, $0x1869F;
	v4 =	vmin.u32 v4, $0x1869F  }
0xa3: {  	v5 =	vnsel vm1, $0x0, v5;
	[tilespmem:$0xB0] =	vst v0;
	v0 =	vadd.s32 $0x1, v4;
	vm0 =	vgt.s32 v7, $0x0  }
0xa4: {  	v2 =	vmin.u32 v2, $0x1869F;
	[tilespmem:$0xC0] =	vst v0;
	v0 =	vadd.s32 $0x1, v3;
	v3 =	vnsel vm0, $0x0, v7  }
0xa5: {  	v2 =	vadd.s32 $0x1, v2;
	vm0 =	vgt.s32 v6, $0x0;
	[tilespmem:$0xD0] =	vst v0;
	v0 =	vmin.u32 v1, $0x1869F  }
0xa6: {  	v1 =	vmin.u32 v5, $0x1869F;
	[tilespmem:$0x80] =	vst v2;
	v2 =	vnsel vm0, $0x0, v6;
	v0 =	vadd.s32 $0x1, v0  }
0xa7: {  	v3 =	vmin.u32 v3, $0x1869F;
	v1 =	vadd.s32 $0x1, v1;
	v2 =	vmin.u32 v2, $0x1869F;
	[tilespmem:$0xF0] =	vst v0  }
0xa8: {  	[tilespmem:$0x90] =	vst v1;
	v0 =	vadd.s32 $0x1, v2;
	v1 =	vadd.s32 $0x1, v3  }
0xa9: {  	[tilespmem:$0xE0] =	vst v1  }
0xaa: {  	[tilespmem:$0xA0] =	vst v0  }
0xab: {  	[tilespmem:s8], [sflag:$0x3] =	stream.indirect.gather [hbm4b:s3+s7], $0x80, s7, s7, $0xb8;
	[tilespmem:$0x10200] =	vst v63  }
0xac: {  	v0 =	vld [tilespmem:$0x100]  }
0xad: {  	v1 =	vld [tilespmem:$0x110]  }
0xae: {  	v2 =	vld [tilespmem:$0x130]  }
0xaf: {  	v3 =	vld [tilespmem:$0x150]  }
0xb0: {  	v4 =	vld [tilespmem:$0x140]  }
0xb1: {  	vm0 =	vgt.s32 v0, $0x0;
	v5 =	vld [tilespmem:$0x120]  }
0xb2: {  	v0 =	vnsel vm0, $0x0, v0;
	vm0 =	vgt.s32 v1, $0x0;
	v6 =	vld [tilespmem:$0x160]  }
0xb3: {  	v0 =	vmin.u32 v0, $0x1869F;
	v1 =	vnsel vm0, $0x0, v1;
	vm0 =	vgt.s32 v2, $0x0;
	v7 =	vld [tilespmem:$0x170]  }
0xb4: {  	v0 =	vadd.s32 $0x1, v0;
	v1 =	vmin.u32 v1, $0x1869F;
	vm1 =	vgt.s32 v3, $0x0  }
0xb5: {  	[tilespmem:$0x100] =	vst v0;
	v0 =	vnsel vm0, $0x0, v2;
	vm0 =	vgt.s32 v4, $0x0;
	v2 =	vnsel vm1, $0x0, v3  }
0xb6: {  	v0 =	vmin.u32 v0, $0x1869F;
	v3 =	vnsel vm0, $0x0, v4;
	v2 =	vmin.u32 v2, $0x1869F  }
0xb7: {  	vm0 =	vgt.s32 v5, $0x0;
	v3 =	vmin.u32 v3, $0x1869F;
	v2 =	vadd.s32 $0x1, v2  }
0xb8: {  	v1 =	vadd.s32 $0x1, v1;
	v0 =	vadd.s32 $0x1, v0;
	v3 =	vadd.s32 $0x1, v3  }
0xb9: {  	v4 =	vnsel vm0, $0x0, v5;
	vm0 =	vgt.s32 v6, $0x0;
	[tilespmem:$0x140] =	vst v3  }
0xba: {  	v3 =	vnsel vm0, $0x0, v6;
	vm0 =	vgt.s32 v7, $0x0;
	[tilespmem:$0x110] =	vst v1;
	v1 =	vmin.u32 v4, $0x1869F  }
0xbb: {  	v1 =	vadd.s32 $0x1, v1;
	[tilespmem:$0x130] =	vst v0;
	v0 =	vmin.u32 v3, $0x1869F;
	v3 =	vnsel vm0, $0x0, v7  }
0xbc: {  	[tilespmem:$0x120] =	vst v1;
	v0 =	vadd.s32 $0x1, v0;
	v1 =	vmin.u32 v3, $0x1869F  }
0xbd: {  	[tilespmem:$0x150] =	vst v2;
	v1 =	vadd.s32 $0x1, v1  }
0xbe: {  	[tilespmem:$0x160] =	vst v0  }
0xbf: {  	[tilespmem:$0x170] =	vst v1  }
0xc0: {  	[tilespmem:s10], [sflag:$0x4] =	stream.indirect.gather [hbm4b:s3+s7], $0x80, s21, s7, $0xb8;
	[tilespmem:$0x10200] =	vst v63  }
.Ltmp1:
0xc1: {  	_ = 	snop;
	(pc) =	sbr.rel @p0 .LBB2_1-.Ltmp1, $4  }
0xc2: {  	v0 =	vld [tilespmem:$0x1F0]  }
0xc3: {  	v1 =	vld [tilespmem:$0x190]  }
0xc4: {  	v3 =	vld [tilespmem:$0x1A0]  }
0xc5: {  	v2 =	vld [tilespmem:$0x1B0]  }
.LBB2_2:
0xc6: {  	v4 =	vld [tilespmem:$0x1C0]  }
0xc7: {  	v5 =	vld [tilespmem:$0x180]  }
0xc8: {  	v6 =	vld [tilespmem:$0x1D0]  }
0xc9: {  	v7 =	vld [tilespmem:$0x1E0];
	vm10 =	vgt.s32 v0, $0x0;
	vm15 =	vgt.s32 v1, $0x0  }
0xca: {  	v0 =	vnsel vm10, $0x0, v0;
	vm0 =	vgt.s32 v3, $0x0;
	v1 =	vnsel vm15, $0x0, v1  }
0xcb: {  	v0 =	vmin.u32 v0, $0x1869F;
	v3 =	vnsel vm0, $0x0, v3;
	vm1 =	vgt.s32 v2, $0x0  }
0xcc: {  	v1 =	vmin.u32 v1, $0x1869F;
	v0 =	vadd.s32 $0x1, v0;
	v3 =	vmin.u32 v3, $0x1869F  }
0xcd: {  	v2 =	vnsel vm1, $0x0, v2;
	vm11 =	vgt.s32 v4, $0x0;
	vm12 =	vgt.s32 v5, $0x0  }
0xce: {  	vm13 =	vgt.s32 v6, $0x0;
	vm14 =	vgt.s32 v7, $0x0;
	v1 =	vadd.s32 $0x1, v1;
	[tilespmem:$0x1F0] =	vst v0  }
0xcf: {  	v3 =	vadd.s32 $0x1, v3;
	v2 =	vmin.u32 v2, $0x1869F;
	v4 =	vnsel vm11, $0x0, v4;
	[tilespmem:$0x190] =	vst v1  }
0xd0: {  	v5 =	vnsel vm12, $0x0, v5;
	v2 =	vadd.s32 $0x1, v2;
	[tilespmem:$0x1A0] =	vst v3;
	v54 =	vmin.u32 v4, $0x1869F  }
0xd1: {  	v55 =	vnsel vm13, $0x0, v6;
	v57 =	vmin.u32 v5, $0x1869F;
	[tilespmem:$0x1B0] =	vst v2;
	v56 =	vadd.s32 $0x1, v54  }
0xd2: {  	v58 =	vnsel vm14, $0x0, v7;
	v60 =	vmin.u32 v55, $0x1869F;
	v59 =	vadd.s32 $0x1, v57;
	[tilespmem:$0x1C0] =	vst v56  }
0xd3: {  	v62 =	vmin.u32 v58, $0x1869F;
	v61 =	vadd.s32 $0x1, v60;
	[tilespmem:$0x180] =	vst v59  }
0xd4: {  	v63 =	vadd.s32 $0x1, v62;
	[tilespmem:$0x1D0] =	vst v61  }
0xd5: {  	[tilespmem:$0x1E0] =	vst v63  }
0xd6: {  	[tilespmem:s15], [sflag:$0x5] =	stream.indirect.gather [hbm4b:s3+s7], $0x80, s20, s7, $0xb8;
	[tilespmem:$0x10200] =	vst v63  }
0xd7: {  	_ =	swait.ge [sflag:s19], $0x4000  }
0xd8: {  	[sflag:s19] =	ssyncset.done $0x0  }
0xd9: {  	[sflag:s19] =	ssyncadd.s32 $0xFFFFC000  }
0xda: {  	[hbm4b:s13+s2] =	stream.linear.scatter [tilespmem:s6], [sflag:$0x1], $0x4000, $0x38;
	[tilespmem:$0x10200] =	vst v63  }
0xdb: {  	_ =	swait.ge [sflag:s18], $0x4000  }
0xdc: {  	[sflag:s18] =	ssyncset.done $0x0  }
0xdd: {  	[sflag:s18] =	ssyncadd.s32 $0xFFFFC000  }
0xde: {  	[hbm4b:s12+s2] =	stream.linear.scatter [tilespmem:s8], [sflag:$0x1], $0x4000, $0x38;
	[tilespmem:$0x10200] =	vst v63  }
0xdf: {  	_ =	swait.ge [sflag:s17], $0x4000  }
0xe0: {  	[sflag:s17] =	ssyncset.done $0x0  }
0xe1: {  	[sflag:s17] =	ssyncadd.s32 $0xFFFFC000  }
0xe2: {  	[hbm4b:s14+s2] =	stream.linear.scatter [tilespmem:s10], [sflag:$0x1], $0x4000, $0x38;
	[tilespmem:$0x10200] =	vst v63  }
0xe3: {  	_ =	swait.ge [sflag:s16], $0x4000  }
0xe4: {  	[sflag:s16] =	ssyncset.done $0x0  }
0xe5: {  	[sflag:s16] =	ssyncadd.s32 $0xFFFFC000  }
0xe6: {  	[hbm4b:s9+s2] =	stream.linear.scatter [tilespmem:s15], [sflag:$0x1], $0x4000, $0x38;
	[tilespmem:$0x10200] =	vst v63  }
0xe7: {  	_ =	swait.ge [sflag:s11], $0x4000  }
0xe8: {  	[sflag:s11] =	ssyncset.done $0x0  }
0xe9: {  	[sflag:s11] =	ssyncadd.s32 $0xFFFFC000  }
0xea: {  	_ =	swait.ge [sflag:s11], $0x4000  }
0xeb: {  	[sflag:s11] =	ssyncset.done $0x0  }
0xec: {  	[sflag:s11] =	ssyncadd.s32 $0xFFFFC000  }
0xed: {  	_ =	swait.ge [sflag:s11], $0x4000  }
0xee: {  	[sflag:s11] =	ssyncset.done $0x0  }
0xef: {  	[sflag:s11] =	ssyncadd.s32 $0xFFFFC000  }
0xf0: {  	_ =	swait.ge [sflag:s11], $0x4000  }
0xf1: {  	[sflag:s11] =	ssyncset.done $0x0  }
0xf2: {  	[sflag:s11] =	ssyncadd.s32 $0xFFFFC000  }
0xf3: {  	_ =	sfence.sel $0x180000  }
0xf4: {  	[bflag:$0x0] =	sbarrier.arrive $0xFFFF  }
0xf5: {  	p0 =	sne.s32 s0, $0x0;
	_ =	strace $0x90000047  }
0xf6: {  	s0 =	sadd.s32 @!p0 $0x100000, s1;
	[bflag:$0x2] =	sbarrier.arrive $0xFFFF  }
0xf7: {  	[sflag:s0] =	ssyncadd.tile.s32 @!p0 $0x1;
	_ =	shalt  }
.Lfunc_end2:
_tile_overlayer_lowered:
.L_overlay_start_2:
0xf8: {  	(tag) =	ssettag $0x2  }
0xf9: {  	s0 =	rddreg [dreg:$0x0];
	s2 =	stileid.u32  }
0xfa: {  	s1 =	rddreg [dreg:$0x1];
	p0 =	sne.s32 s2, $0x0  }
0xfb: {  	s3 =	rddreg [dreg:$0x2];
	[bflag:$0x3] =	sbarrier.arrive $0xFFFF;
	s2 =	simm.s32 @!p0 $0x1C06  }
0xfc: {  	[timem:s3], [sflag:s2] =	dma.local @!p0 [hbm:s0], s1  }
0xfd: {  	s0 =	simm.s32 @!p0 $0x6  }
0xfe: {  	_ =	swait.ge @!p0 [sflag:s0], s1  }
0xff: {  	s1 =	ssub.s32 @!p0 $0x0, s1;
	[sflag:s0] =	ssyncset.done @!p0 $0x0  }
0x100: {  	[sflag:s0] =	ssyncadd.s32 @!p0 s1  }
0x101: {  	[bflag:$0x3] =	sbarrier.arrive $0xFFFF  }
0x102: {  	_ =	shalt  }

</sc_bundles>
